<compile_context>
chip_gen: v7x
topology: tpu7x:2x2x1
jax: 0.10.2.dev20260603
libtpu: 0.0.44.dev20260713+nightly
codegen_flags: <defaults>
</compile_context>

<pallas_src>
import functools

import jax
import jax.numpy as jnp
from jax import lax
from jax.experimental import pallas as pl
from jax.experimental.pallas import tpu as pltpu
from jax.experimental.pallas import tpu_sc as plsc

_NUM_GENRE = 25
_NUM_ACTOR = 2000
_NUM_DIRECTOR = 500
_EMB = 32

_NC = 2
_NS = 16
_NW = _NC * _NS


def _sc_item_gather_wide(table_wide, idx):
    B = idx.shape[0]
    b_per_w = B // _NW
    mesh = plsc.VectorSubcoreMesh(core_axis_name="c", subcore_axis_name="s")

    @functools.partial(
        pl.kernel,
        mesh=mesh,
        out_type=jax.ShapeDtypeStruct((B, 128), jnp.float32),
        scratch_types=[
            pltpu.VMEM((b_per_w,), jnp.int32),
            pltpu.VMEM((b_per_w,), jnp.int32),
            pltpu.VMEM((b_per_w, 128), jnp.float32),
            pltpu.SemaphoreType.DMA,
        ],
    )
    def gather_kernel(table_hbm, idx_hbm, out_hbm, idx_v, slab_v, gath_v, sem):
        wid = lax.axis_index("s") * _NC + lax.axis_index("c")
        base = wid * b_per_w
        pltpu.sync_copy(idx_hbm.at[pl.ds(base, b_per_w)], idx_v)
        for j in range(b_per_w // 16):
            slab_v[pl.ds(j * 16, 16)] = lax.rem(idx_v[pl.ds(j * 16, 16)], _G4)
        pltpu.async_copy(table_hbm.at[slab_v], gath_v, sem).wait()
        pltpu.sync_copy(gath_v, out_hbm.at[pl.ds(base, b_per_w), :])

    return gather_kernel(table_wide, idx)


_G4 = 25600


def _slabify_body(t0_ref, t1_ref, t2_ref, t3_ref, o_ref):
    o_ref[...] = jnp.concatenate(
        [t0_ref[...].T, t1_ref[...].T, t2_ref[...].T, t3_ref[...].T], axis=1)


def _slabify(table_t):
    RB = 2560
    grid = (_G4 // RB,)
    nb = _G4 // RB
    _, num_item = table_t.shape
    last_valid = num_item // RB

    def spec(m):
        return pl.BlockSpec(
            (_EMB, RB), lambda i, m=m: (0, jnp.minimum(i + m * nb, last_valid)))

    return pl.pallas_call(
        _slabify_body,
        grid=grid,
        in_specs=[spec(0), spec(1), spec(2), spec(3)],
        out_specs=pl.BlockSpec((RB, 128), lambda i: (i, 0)),
        out_shape=jax.ShapeDtypeStruct((_G4, 128), jnp.float32),
    )(table_t, table_t, table_t, table_t)


_KB = 640


def _tc_body(nk, x0_ref, x1_ref, x2_ref, x3_ref, wcat_ref, wrate_ref,
             scw_ref, o_ref, acc_ref):
    k = pl.program_id(0)
    xi = x0_ref[...]
    b = xi.shape[1]
    sub = xi.shape[0]
    w = wcat_ref[...]
    yt = jnp.dot(w[:, 0:sub], xi.astype(jnp.bfloat16),
                 preferred_element_type=jnp.float32)
    for j, xr in enumerate((x1_ref, x2_ref, x3_ref), start=1):
        yt = yt + jnp.dot(w[:, j * sub:(j + 1) * sub],
                          xr[...].astype(jnp.bfloat16),
                          preferred_element_type=jnp.float32)

    @pl.when(k == 0)
    def _():
        acc_ref[...] = yt
        rate = xi[1:2, :]
        oh = (lax.broadcasted_iota(jnp.int32, (128, b), 0)
              == rate).astype(jnp.bfloat16)
        o_ref[_EMB:2 * _EMB, :] = jnp.dot(
            wrate_ref[...], oh, preferred_element_type=jnp.float32)
        scw_t = scw_ref[...].T
        sel = xi[0:1, :] // _G4
        item_emb = jnp.zeros((_EMB, b), jnp.float32)
        for m in range(4):
            item_emb = item_emb + jnp.where(
                sel == m, scw_t[32 * m:32 * (m + 1), :], 0.0)
        o_ref[0:_EMB, :] = item_emb

    @pl.when(k > 0)
    def _():
        acc_ref[...] += yt

    @pl.when(k == nk - 1)
    def _():
        acc = acc_ref[...]
        d_g = jnp.where(acc[96:97, :] == 0.0, 1.0, acc[96:97, :])
        d_a = jnp.where(acc[97:98, :] == 0.0, 1.0, acc[97:98, :])
        d_d = jnp.where(acc[98:99, :] == 0.0, 1.0, acc[98:99, :])
        o_ref[2 * _EMB:, :] = jnp.concatenate(
            [acc[0:32, :] / d_g, acc[32:64, :] / d_a, acc[64:96, :] / d_d],
            axis=0)


def _tc_compute(xt, wcat_t, wrate_t, sc_wide):
    F, B = xt.shape
    nk = (F + _KB - 1) // _KB
    sub = _KB // 4

    def xspec(j):
        return pl.BlockSpec((sub, B), lambda k, j=j: (4 * k + j, 0))

    return pl.pallas_call(
        functools.partial(_tc_body, nk),
        grid=(nk,),
        in_specs=[
            xspec(0), xspec(1), xspec(2), xspec(3),
            pl.BlockSpec((128, _KB), lambda k: (0, k)),
            pl.BlockSpec((_EMB, 128), lambda k: (0, 0)),
            pl.BlockSpec((B, 128), lambda k: (0, 0)),
        ],
        out_specs=pl.BlockSpec((5 * _EMB, B), lambda k: (0, 0)),
        out_shape=jax.ShapeDtypeStruct((5 * _EMB, B), jnp.float32),
        scratch_shapes=[pltpu.VMEM((128, B), jnp.float32)],
    )(xt, xt, xt, xt, wcat_t, wrate_t, sc_wide)


def kernel(item_fea, W_item, W_rate, W_genre, W_actor, W_director):
    B, F = item_fea.shape
    num_item = W_item.shape[0]
    g0 = 2
    a0 = g0 + _NUM_GENRE
    d0 = a0 + _NUM_ACTOR
    nk = (F + _KB - 1) // _KB
    f_pad = nk * _KB
    col = lax.broadcasted_iota(jnp.int32, (1, f_pad), 1)
    in_g = (col >= g0) & (col < a0)
    in_a = (col >= a0) & (col < d0)
    in_d = (col >= d0) & (col < F)
    wcat_t = jnp.concatenate([
        jnp.where(in_g, jnp.pad(W_genre.T, ((0, 0), (g0, f_pad - a0))), 0.0),
        jnp.where(in_a, jnp.pad(W_actor.T, ((0, 0), (a0, f_pad - d0))), 0.0),
        jnp.where(in_d, jnp.pad(W_director.T, ((0, 0), (d0, f_pad - F))), 0.0),
        in_g.astype(jnp.float32),
        in_a.astype(jnp.float32),
        in_d.astype(jnp.float32),
        jnp.zeros((128 - 99, f_pad), jnp.float32),
    ], axis=0).astype(jnp.bfloat16)
    wrate_t = jnp.pad(W_rate.T, ((0, 0), (0, 128 - W_rate.shape[0]))
                      ).astype(jnp.bfloat16)

    xt = item_fea.T
    table_wide = _slabify(W_item.T)
    idx = item_fea[:, 0].astype(jnp.int32)
    sc_wide = _sc_item_gather_wide(table_wide, idx)
    out_t = _tc_compute(xt, wcat_t, wrate_t, sc_wide)
    return out_t.T

# --- scband reference (transcript-rebuilt; emitter-appended) ---
"""Pipeline reference for scband-item-embedding-ml-69269232550578 (READ-ONLY COPY).

The authoritative reference and input builder live on the scoring server;
editing this copy changes nothing except your own understanding.
"""

import jax, jax.numpy as jnp
import numpy as np

NUM_ITEM = 100000
NUM_RATE = 6
NUM_GENRE = 25
NUM_ACTOR = 2000
NUM_DIRECTOR = 500
EMB = 32
B = 4096


def setup_inputs(seed: int = 0) -> dict:
    key = jax.random.key(seed)
    k1, k2, k3, k4, k5, k6, k7, k8, k9, k10 = jax.random.split(key, 10)
    itemId = jax.random.randint(k1, (B, 1), 0, NUM_ITEM)
    rate = jax.random.randint(k2, (B, 1), 0, NUM_RATE)
    genre = jax.random.randint(k3, (B, NUM_GENRE), 0, 2)
    actor = (jax.random.uniform(k4, (B, NUM_ACTOR)) < 0.005).astype(jnp.int32)
    director = (jax.random.uniform(k5, (B, NUM_DIRECTOR)) < 0.004).astype(jnp.int32)
    item_fea = jnp.concatenate([itemId, rate, genre, actor, director], axis=1)
    W_item = jax.random.normal(k6, (NUM_ITEM, EMB), dtype=jnp.float32) * 0.02
    W_rate = jax.random.normal(k7, (NUM_RATE, EMB), dtype=jnp.float32) * 0.02
    W_genre = jax.random.normal(k8, (NUM_GENRE, EMB), dtype=jnp.float32) * 0.02
    W_actor = jax.random.normal(k9, (NUM_ACTOR, EMB), dtype=jnp.float32) * 0.02
    W_director = jax.random.normal(k10, (NUM_DIRECTOR, EMB), dtype=jnp.float32) * 0.02
    return {"item_fea": item_fea, "W_item": W_item, "W_rate": W_rate, "W_genre": W_genre, "W_actor": W_actor, "W_director": W_director}


def _avg_proj(x, W):
    s = jnp.sum(x, axis=1).reshape(-1, 1)
    denom = jnp.where(s == 0, jnp.ones_like(s), s)
    return (x @ W) / denom


def reference(item_fea, W_item, W_rate, W_genre, W_actor, W_director):
    itemId_idx = item_fea[:, 0]
    rate_idx = item_fea[:, 1]
    genre_idx = item_fea[:, 2:2 + NUM_GENRE].astype(jnp.float32)
    actor_idx = item_fea[:, 2 + NUM_GENRE:2 + NUM_GENRE + NUM_ACTOR].astype(jnp.float32)
    director_idx = item_fea[:, 2 + NUM_GENRE + NUM_ACTOR:].astype(jnp.float32)
    itemId_emb = jnp.take(W_item, itemId_idx, axis=0)
    rate_emb = jnp.take(W_rate, rate_idx, axis=0)
    genre_emb = _avg_proj(genre_idx, W_genre)
    actor_emb = _avg_proj(actor_idx, W_actor)
    director_emb = _avg_proj(director_idx, W_director)
    return jnp.concatenate([itemId_emb, rate_emb, genre_emb, actor_emb, director_emb], axis=1)

if __name__ == "__main__":
    import jax
    _d = setup_inputs()
    print(jax.jit(kernel)(*tuple(_d.values())))

</pallas_src>

<mosaic_0001>
#map = affine_map<(d0, d1) -> (0, 0)>
#map1 = affine_map<(d0, d1) -> (0)>
module attributes {stable_mosaic.version = 14 : i64} {
  func.func @gather_kernel(%arg0: i32, %arg1: i32, %arg2: memref<25600x128xf32, #tpu.memory_space<hbm>>, %arg3: memref<4096xi32, #tpu.memory_space<hbm>>, %arg4: memref<4096x128xf32, #tpu.memory_space<hbm>>, %arg5: memref<128xi32, #tpu.memory_space<vmem>>, %arg6: memref<128xi32, #tpu.memory_space<vmem>>, %arg7: memref<128x128xf32, #tpu.memory_space<vmem>>, %arg8: memref<!tpu.dma_semaphore, #tpu.memory_space<semaphore_mem>>) attributes {dimension_semantics = [#tpu.dimension_semantics<core_parallel>, #tpu.dimension_semantics<subcore_parallel>], iteration_bounds = array<i64: 2, 16>, scalar_prefetch = 0 : i64, scratch_operands = 4 : i64, tpu.core_type = #tpu.core_type<sc_vector_subcore>, window_params = [{transform_indices = #map}, {transform_indices = #map1}, {transform_indices = #map}]} {
    %mul3A = arith.constant 2 : i32
    %mul3A_0 = arith.muli %arg1, %mul3A : i32
    %add3A = arith.addi %mul3A_0, %arg0 : i32
    %mul3A_1 = arith.constant 128 : i32
    %mul3A_2 = arith.muli %add3A, %mul3A_1 : i32
    "tpu.region"() ({
      %run_scoped3A = tpu.sem_alloc : memref<!tpu.dma_semaphore, #tpu.memory_space<semaphore_mem>>
      %dma_start3A_84 = tpu.memref_slice %arg3[%mul3A_2] : memref<4096xi32, #tpu.memory_space<hbm>> -> memref<128xi32, #tpu.memory_space<hbm>>
      %dma_start3A_85 = tpu.memref_slice %arg3[%mul3A_2] : memref<4096xi32, #tpu.memory_space<hbm>> -> memref<128xi32, #tpu.memory_space<hbm>>
      tpu.enqueue_dma source(%dma_start3A_85 : memref<128xi32, #tpu.memory_space<hbm>>) target(%arg5 : memref<128xi32, #tpu.memory_space<vmem>>) target_semaphore(%run_scoped3A : memref<!tpu.dma_semaphore, #tpu.memory_space<semaphore_mem>>)
      %dma_wait3A_86 = tpu.memref_slice %arg3[%mul3A_2] : memref<4096xi32, #tpu.memory_space<hbm>> -> memref<128xi32, #tpu.memory_space<hbm>>
      %dma_wait3A_87 = tpu.memref_slice %arg3[%mul3A_2] : memref<4096xi32, #tpu.memory_space<hbm>> -> memref<128xi32, #tpu.memory_space<hbm>>
      tpu.wait_dma2 semaphore(%run_scoped3A : memref<!tpu.dma_semaphore, #tpu.memory_space<semaphore_mem>>) src(%dma_wait3A_87 : memref<128xi32, #tpu.memory_space<hbm>>) dst(%arg5 : memref<128xi32, #tpu.memory_space<vmem>>)
      tpu.yield
    }) : () -> ()
    %get3A = arith.constant 0 : index
    %get3A_3 = tpu.vector_load %arg5[%get3A] {strides = array<i32>} : memref<128xi32, #tpu.memory_space<vmem>>, vector<16xi32>,
    %get3A_4 = vector.shape_cast %get3A_3 : vector<16xi32> to vector<16xi32>
    %rem3A = arith.constant 25600 : i32
    %rem3A_5 = vector.broadcast %rem3A : i32 to vector<16xi32>
    %rem3A_6 = arith.remsi %get3A_4, %rem3A_5 : vector<16xi32>
    %swap3A = arith.constant 0 : index
    %swap3A_7 = tpu.vector_load %arg6[%swap3A] {strides = array<i32>} : memref<128xi32, #tpu.memory_space<vmem>>, vector<16xi32>,
    %swap3A_8 = vector.shape_cast %swap3A_7 : vector<16xi32> to vector<16xi32>
    %swap3A_9 = vector.shape_cast %rem3A_6 : vector<16xi32> to vector<16xi32>
    tpu.vector_store %arg6[%swap3A], %swap3A_9 {strides = array<i32>} : memref<128xi32, #tpu.memory_space<vmem>>, vector<16xi32>,
    %get3A_10 = arith.constant 16 : index
    %get3A_11 = tpu.vector_load %arg5[%get3A_10] {strides = array<i32>} : memref<128xi32, #tpu.memory_space<vmem>>, vector<16xi32>,
    %get3A_12 = vector.shape_cast %get3A_11 : vector<16xi32> to vector<16xi32>
    %rem3A_13 = arith.constant 25600 : i32
    %rem3A_14 = vector.broadcast %rem3A_13 : i32 to vector<16xi32>
    %rem3A_15 = arith.remsi %get3A_12, %rem3A_14 : vector<16xi32>
    %swap3A_16 = arith.constant 16 : index
    %swap3A_17 = tpu.vector_load %arg6[%swap3A_16] {strides = array<i32>} : memref<128xi32, #tpu.memory_space<vmem>>, vector<16xi32>,
    %swap3A_18 = vector.shape_cast %swap3A_17 : vector<16xi32> to vector<16xi32>
    %swap3A_19 = vector.shape_cast %rem3A_15 : vector<16xi32> to vector<16xi32>
    tpu.vector_store %arg6[%swap3A_16], %swap3A_19 {strides = array<i32>} : memref<128xi32, #tpu.memory_space<vmem>>, vector<16xi32>,
    %get3A_20 = arith.constant 32 : index
    %get3A_21 = tpu.vector_load %arg5[%get3A_20] {strides = array<i32>} : memref<128xi32, #tpu.memory_space<vmem>>, vector<16xi32>,
    %get3A_22 = vector.shape_cast %get3A_21 : vector<16xi32> to vector<16xi32>
    %rem3A_23 = arith.constant 25600 : i32
    %rem3A_24 = vector.broadcast %rem3A_23 : i32 to vector<16xi32>
    %rem3A_25 = arith.remsi %get3A_22, %rem3A_24 : vector<16xi32>
    %swap3A_26 = arith.constant 32 : index
    %swap3A_27 = tpu.vector_load %arg6[%swap3A_26] {strides = array<i32>} : memref<128xi32, #tpu.memory_space<vmem>>, vector<16xi32>,
    %swap3A_28 = vector.shape_cast %swap3A_27 : vector<16xi32> to vector<16xi32>
    %swap3A_29 = vector.shape_cast %rem3A_25 : vector<16xi32> to vector<16xi32>
    tpu.vector_store %arg6[%swap3A_26], %swap3A_29 {strides = array<i32>} : memref<128xi32, #tpu.memory_space<vmem>>, vector<16xi32>,
    %get3A_30 = arith.constant 48 : index
    %get3A_31 = tpu.vector_load %arg5[%get3A_30] {strides = array<i32>} : memref<128xi32, #tpu.memory_space<vmem>>, vector<16xi32>,
    %get3A_32 = vector.shape_cast %get3A_31 : vector<16xi32> to vector<16xi32>
    %rem3A_33 = arith.constant 25600 : i32
    %rem3A_34 = vector.broadcast %rem3A_33 : i32 to vector<16xi32>
    %rem3A_35 = arith.remsi %get3A_32, %rem3A_34 : vector<16xi32>
    %swap3A_36 = arith.constant 48 : index
    %swap3A_37 = tpu.vector_load %arg6[%swap3A_36] {strides = array<i32>} : memref<128xi32, #tpu.memory_space<vmem>>, vector<16xi32>,
    %swap3A_38 = vector.shape_cast %swap3A_37 : vector<16xi32> to vector<16xi32>
    %swap3A_39 = vector.shape_cast %rem3A_35 : vector<16xi32> to vector<16xi32>
    tpu.vector_store %arg6[%swap3A_36], %swap3A_39 {strides = array<i32>} : memref<128xi32, #tpu.memory_space<vmem>>, vector<16xi32>,
    %get3A_40 = arith.constant 64 : index
    %get3A_41 = tpu.vector_load %arg5[%get3A_40] {strides = array<i32>} : memref<128xi32, #tpu.memory_space<vmem>>, vector<16xi32>,
    %get3A_42 = vector.shape_cast %get3A_41 : vector<16xi32> to vector<16xi32>
    %rem3A_43 = arith.constant 25600 : i32
    %rem3A_44 = vector.broadcast %rem3A_43 : i32 to vector<16xi32>
    %rem3A_45 = arith.remsi %get3A_42, %rem3A_44 : vector<16xi32>
    %swap3A_46 = arith.constant 64 : index
    %swap3A_47 = tpu.vector_load %arg6[%swap3A_46] {strides = array<i32>} : memref<128xi32, #tpu.memory_space<vmem>>, vector<16xi32>,
    %swap3A_48 = vector.shape_cast %swap3A_47 : vector<16xi32> to vector<16xi32>
    %swap3A_49 = vector.shape_cast %rem3A_45 : vector<16xi32> to vector<16xi32>
    tpu.vector_store %arg6[%swap3A_46], %swap3A_49 {strides = array<i32>} : memref<128xi32, #tpu.memory_space<vmem>>, vector<16xi32>,
    %get3A_50 = arith.constant 80 : index
    %get3A_51 = tpu.vector_load %arg5[%get3A_50] {strides = array<i32>} : memref<128xi32, #tpu.memory_space<vmem>>, vector<16xi32>,
    %get3A_52 = vector.shape_cast %get3A_51 : vector<16xi32> to vector<16xi32>
    %rem3A_53 = arith.constant 25600 : i32
    %rem3A_54 = vector.broadcast %rem3A_53 : i32 to vector<16xi32>
    %rem3A_55 = arith.remsi %get3A_52, %rem3A_54 : vector<16xi32>
    %swap3A_56 = arith.constant 80 : index
    %swap3A_57 = tpu.vector_load %arg6[%swap3A_56] {strides = array<i32>} : memref<128xi32, #tpu.memory_space<vmem>>, vector<16xi32>,
    %swap3A_58 = vector.shape_cast %swap3A_57 : vector<16xi32> to vector<16xi32>
    %swap3A_59 = vector.shape_cast %rem3A_55 : vector<16xi32> to vector<16xi32>
    tpu.vector_store %arg6[%swap3A_56], %swap3A_59 {strides = array<i32>} : memref<128xi32, #tpu.memory_space<vmem>>, vector<16xi32>,
    %get3A_60 = arith.constant 96 : index
    %get3A_61 = tpu.vector_load %arg5[%get3A_60] {strides = array<i32>} : memref<128xi32, #tpu.memory_space<vmem>>, vector<16xi32>,
    %get3A_62 = vector.shape_cast %get3A_61 : vector<16xi32> to vector<16xi32>
    %rem3A_63 = arith.constant 25600 : i32
    %rem3A_64 = vector.broadcast %rem3A_63 : i32 to vector<16xi32>
    %rem3A_65 = arith.remsi %get3A_62, %rem3A_64 : vector<16xi32>
    %swap3A_66 = arith.constant 96 : index
    %swap3A_67 = tpu.vector_load %arg6[%swap3A_66] {strides = array<i32>} : memref<128xi32, #tpu.memory_space<vmem>>, vector<16xi32>,
    %swap3A_68 = vector.shape_cast %swap3A_67 : vector<16xi32> to vector<16xi32>
    %swap3A_69 = vector.shape_cast %rem3A_65 : vector<16xi32> to vector<16xi32>
    tpu.vector_store %arg6[%swap3A_66], %swap3A_69 {strides = array<i32>} : memref<128xi32, #tpu.memory_space<vmem>>, vector<16xi32>,
    %get3A_70 = arith.constant 112 : index
    %get3A_71 = tpu.vector_load %arg5[%get3A_70] {strides = array<i32>} : memref<128xi32, #tpu.memory_space<vmem>>, vector<16xi32>,
    %get3A_72 = vector.shape_cast %get3A_71 : vector<16xi32> to vector<16xi32>
    %rem3A_73 = arith.constant 25600 : i32
    %rem3A_74 = vector.broadcast %rem3A_73 : i32 to vector<16xi32>
    %rem3A_75 = arith.remsi %get3A_72, %rem3A_74 : vector<16xi32>
    %swap3A_76 = arith.constant 112 : index
    %swap3A_77 = tpu.vector_load %arg6[%swap3A_76] {strides = array<i32>} : memref<128xi32, #tpu.memory_space<vmem>>, vector<16xi32>,
    %swap3A_78 = vector.shape_cast %swap3A_77 : vector<16xi32> to vector<16xi32>
    %swap3A_79 = vector.shape_cast %rem3A_75 : vector<16xi32> to vector<16xi32>
    tpu.vector_store %arg6[%swap3A_76], %swap3A_79 {strides = array<i32>} : memref<128xi32, #tpu.memory_space<vmem>>, vector<16xi32>,
    %dma_start3A = arith.constant 0 : i32
    %dma_start3A_80 = arith.constant 0 : i32
    %dma_start3A_81 = tpu.memref_slice %arg2[%dma_start3A, %dma_start3A_80] : memref<25600x128xf32, #tpu.memory_space<hbm>> -> memref<25600x128xf32, #tpu.memory_space<hbm>>
    tpu.enqueue_indirect_dma source(%dma_start3A_81 : memref<25600x128xf32, #tpu.memory_space<hbm>>) target(%arg7 : memref<128x128xf32, #tpu.memory_space<vmem>>) offsets(%arg6 : memref<128xi32, #tpu.memory_space<vmem>>) semaphore(%arg8 : memref<!tpu.dma_semaphore, #tpu.memory_space<semaphore_mem>>)
    %dma_wait3A = arith.constant 0 : i32
    %dma_wait3A_82 = arith.constant 0 : i32
    %dma_wait3A_83 = tpu.memref_slice %arg2[%dma_wait3A, %dma_wait3A_82] : memref<25600x128xf32, #tpu.memory_space<hbm>> -> memref<25600x128xf32, #tpu.memory_space<hbm>>
    tpu.wait_indirect_dma semaphore(%arg8 : memref<!tpu.dma_semaphore, #tpu.memory_space<semaphore_mem>>) src(%dma_wait3A_83 : memref<25600x128xf32, #tpu.memory_space<hbm>>) dst(%arg7 : memref<128x128xf32, #tpu.memory_space<vmem>>)
    "tpu.region"() ({
      %run_scoped3A = tpu.sem_alloc : memref<!tpu.dma_semaphore, #tpu.memory_space<semaphore_mem>>
      %dma_start3A_84 = arith.constant 0 : i32
      %dma_start3A_85 = tpu.memref_slice %arg4[%mul3A_2, %dma_start3A_84] : memref<4096x128xf32, #tpu.memory_space<hbm>> -> memref<128x128xf32, #tpu.memory_space<hbm>>
      %dma_start3A_86 = arith.constant 0 : i32
      %dma_start3A_87 = tpu.memref_slice %arg4[%mul3A_2, %dma_start3A_86] : memref<4096x128xf32, #tpu.memory_space<hbm>> -> memref<128x128xf32, #tpu.memory_space<hbm>>
      tpu.enqueue_dma source(%arg7 : memref<128x128xf32, #tpu.memory_space<vmem>>) target(%dma_start3A_87 : memref<128x128xf32, #tpu.memory_space<hbm>>) target_semaphore(%run_scoped3A : memref<!tpu.dma_semaphore, #tpu.memory_space<semaphore_mem>>)
      %dma_wait3A_88 = arith.constant 0 : i32
      %dma_wait3A_89 = tpu.memref_slice %arg4[%mul3A_2, %dma_wait3A_88] : memref<4096x128xf32, #tpu.memory_space<hbm>> -> memref<128x128xf32, #tpu.memory_space<hbm>>
      %dma_wait3A_90 = arith.constant 0 : i32
      %dma_wait3A_91 = tpu.memref_slice %arg4[%mul3A_2, %dma_wait3A_90] : memref<4096x128xf32, #tpu.memory_space<hbm>> -> memref<128x128xf32, #tpu.memory_space<hbm>>
      tpu.wait_dma2 semaphore(%run_scoped3A : memref<!tpu.dma_semaphore, #tpu.memory_space<semaphore_mem>>) src(%arg7 : memref<128x128xf32, #tpu.memory_space<vmem>>) dst(%dma_wait3A_91 : memref<128x128xf32, #tpu.memory_space<hbm>>)
      tpu.yield
    }) : () -> ()
    return
  }
}

module attributes {stable_mosaic.version = 14 : i64} {
  func.func @_slabify_body(%arg0: i32, %arg1: memref<32x2560xf32, #tpu.memory_space<vmem>>, %arg2: memref<32x2560xf32, #tpu.memory_space<vmem>>, %arg3: memref<32x2560xf32, #tpu.memory_space<vmem>>, %arg4: memref<32x2560xf32, #tpu.memory_space<vmem>>, %arg5: memref<2560x128xf32, #tpu.memory_space<vmem>>) attributes {dimension_semantics = [#tpu.dimension_semantics<arbitrary>], iteration_bounds = array<i64: 10>, scalar_prefetch = 0 : i64, scratch_operands = 0 : i64, tpu.core_type = #tpu.core_type<tc>, window_params = [{transform_indices = @transform_0, window_bounds = array<i64: 32, 2560>}, {transform_indices = @transform_1, window_bounds = array<i64: 32, 2560>}, {transform_indices = @transform_2, window_bounds = array<i64: 32, 2560>}, {transform_indices = @transform_3, window_bounds = array<i64: 32, 2560>}, {transform_indices = @transform_4, window_bounds = array<i64: 2560, 128>}]} {
    %get3A = arith.constant 0 : index
    %get3A_0 = arith.constant 0 : index
    %get3A_1 = vector.load %arg1[%get3A, %get3A_0] : memref<32x2560xf32, #tpu.memory_space<vmem>>, vector<32x2560xf32>
    %transpose3A = tpu.transpose %get3A_1, [1, 0] : vector<32x2560xf32> -> vector<2560x32xf32>
    %get3A_2 = arith.constant 0 : index
    %get3A_3 = arith.constant 0 : index
    %get3A_4 = vector.load %arg2[%get3A_2, %get3A_3] : memref<32x2560xf32, #tpu.memory_space<vmem>>, vector<32x2560xf32>
    %transpose3A_5 = tpu.transpose %get3A_4, [1, 0] : vector<32x2560xf32> -> vector<2560x32xf32>
    %get3A_6 = arith.constant 0 : index
    %get3A_7 = arith.constant 0 : index
    %get3A_8 = vector.load %arg3[%get3A_6, %get3A_7] : memref<32x2560xf32, #tpu.memory_space<vmem>>, vector<32x2560xf32>
    %transpose3A_9 = tpu.transpose %get3A_8, [1, 0] : vector<32x2560xf32> -> vector<2560x32xf32>
    %get3A_10 = arith.constant 0 : index
    %get3A_11 = arith.constant 0 : index
    %get3A_12 = vector.load %arg4[%get3A_10, %get3A_11] : memref<32x2560xf32, #tpu.memory_space<vmem>>, vector<32x2560xf32>
    %transpose3A_13 = tpu.transpose %get3A_12, [1, 0] : vector<32x2560xf32> -> vector<2560x32xf32>
    %concatenate3A = tpu.concatenate %transpose3A, %transpose3A_5, %transpose3A_9, %transpose3A_13 in 1 : vector<2560x32xf32>, vector<2560x32xf32>, vector<2560x32xf32>, vector<2560x32xf32> -> vector<2560x128xf32>
    %swap3A = arith.constant 0 : index
    %swap3A_14 = arith.constant 0 : index
    %swap3A_15 = vector.load %arg5[%swap3A, %swap3A_14] : memref<2560x128xf32, #tpu.memory_space<vmem>>, vector<2560x128xf32>
    tpu.vector_store %arg5[%swap3A, %swap3A_14], %concatenate3A {strides = array<i32>} : memref<2560x128xf32, #tpu.memory_space<vmem>>, vector<2560x128xf32>,
    return
  }
  func.func @transform_0(%arg0: i32) -> (i32, i32) {
    %add3A = arith.constant 0 : i32
    %add3A_0 = arith.addi %arg0, %add3A : i32
    %min3A = arith.constant 39 : i32
    %min3A_1 = arith.minsi %add3A_0, %min3A : i32
    %c0_i32 = arith.constant 0 : i32
    %c0_i32_2 = arith.constant 0 : i32
    return %c0_i32, %min3A_1 : i32, i32
  }
  func.func @transform_1(%arg0: i32) -> (i32, i32) {
    %add3A = arith.constant 10 : i32
    %add3A_0 = arith.addi %arg0, %add3A : i32
    %min3A = arith.constant 39 : i32
    %min3A_1 = arith.minsi %add3A_0, %min3A : i32
    %c0_i32 = arith.constant 0 : i32
    %c0_i32_2 = arith.constant 0 : i32
    return %c0_i32, %min3A_1 : i32, i32
  }
  func.func @transform_2(%arg0: i32) -> (i32, i32) {
    %add3A = arith.constant 20 : i32
    %add3A_0 = arith.addi %arg0, %add3A : i32
    %min3A = arith.constant 39 : i32
    %min3A_1 = arith.minsi %add3A_0, %min3A : i32
    %c0_i32 = arith.constant 0 : i32
    %c0_i32_2 = arith.constant 0 : i32
    return %c0_i32, %min3A_1 : i32, i32
  }
  func.func @transform_3(%arg0: i32) -> (i32, i32) {
    %add3A = arith.constant 30 : i32
    %add3A_0 = arith.addi %arg0, %add3A : i32
    %min3A = arith.constant 39 : i32
    %min3A_1 = arith.minsi %add3A_0, %min3A : i32
    %c0_i32 = arith.constant 0 : i32
    %c0_i32_2 = arith.constant 0 : i32
    return %c0_i32, %min3A_1 : i32, i32
  }
  func.func @transform_4(%arg0: i32) -> (i32, i32) {
    %c0_i32 = arith.constant 0 : i32
    %c0_i32_0 = arith.constant 0 : i32
    return %arg0, %c0_i32 : i32, i32
  }
}

module attributes {stable_mosaic.version = 14 : i64} {
  func.func @_tc_body(%arg0: i32, %arg1: memref<160x4096xi32, #tpu.memory_space<vmem>>, %arg2: memref<160x4096xi32, #tpu.memory_space<vmem>>, %arg3: memref<160x4096xi32, #tpu.memory_space<vmem>>, %arg4: memref<160x4096xi32, #tpu.memory_space<vmem>>, %arg5: memref<128x640xbf16, #tpu.memory_space<vmem>>, %arg6: memref<32x128xbf16, #tpu.memory_space<vmem>>, %arg7: memref<4096x128xf32, #tpu.memory_space<vmem>>, %arg8: memref<160x4096xf32, #tpu.memory_space<vmem>>, %arg9: memref<128x4096xf32, #tpu.memory_space<vmem>>) attributes {dimension_semantics = [#tpu.dimension_semantics<arbitrary>], iteration_bounds = array<i64: 4>, scalar_prefetch = 0 : i64, scratch_operands = 1 : i64, tpu.core_type = #tpu.core_type<tc>, window_params = [{transform_indices = @transform_0, window_bounds = array<i64: 160, 4096>}, {transform_indices = @transform_1, window_bounds = array<i64: 160, 4096>}, {transform_indices = @transform_2, window_bounds = array<i64: 160, 4096>}, {transform_indices = @transform_3, window_bounds = array<i64: 160, 4096>}, {transform_indices = @transform_4, window_bounds = array<i64: 128, 640>}, {pipeline_mode = #tpu.pipeline_mode<synchronous>, transform_indices = @transform_5, window_bounds = array<i64: 32, 128>}, {pipeline_mode = #tpu.pipeline_mode<synchronous>, transform_indices = @transform_6, window_bounds = array<i64: 4096, 128>}, {pipeline_mode = #tpu.pipeline_mode<synchronous>, transform_indices = @transform_7, window_bounds = array<i64: 160, 4096>}]} {
    %get3A = arith.constant 0 : index
    %get3A_0 = arith.constant 0 : index
    %get3A_1 = vector.load %arg1[%get3A, %get3A_0] : memref<160x4096xi32, #tpu.memory_space<vmem>>, vector<160x4096xi32>
    %get3A_2 = arith.constant 0 : index
    %get3A_3 = arith.constant 0 : index
    %get3A_4 = vector.load %arg5[%get3A_2, %get3A_3] : memref<128x640xbf16, #tpu.memory_space<vmem>>, vector<128x640xbf16>
    %slice3A = vector.extract_strided_slice %get3A_4 {offsets = [0, 0], sizes = [128, 160], strides = [1, 1]} : vector<128x640xbf16> to vector<128x160xbf16>
    %convert_element_type3A = arith.sitofp %get3A_1 : vector<160x4096xi32> to vector<160x4096xbf16>
    %dot_general3A = arith.constant dense<0.000000e+00> : vector<128x4096xf32>
    %dot_general3A_5 = tpu.matmul %slice3A, %convert_element_type3A, %dot_general3A {dimension_numbers = #tpu.dot_dimension_numbers<[1], [0], [0], [1], [0, 0, 1, 1], [], []>, transpose_lhs_hint = false} : vector<128x160xbf16>, vector<160x4096xbf16>, vector<128x4096xf32> -> vector<128x4096xf32>
    %slice3A_6 = vector.extract_strided_slice %get3A_4 {offsets = [0, 160], sizes = [128, 160], strides = [1, 1]} : vector<128x640xbf16> to vector<128x160xbf16>
    %get3A_7 = arith.constant 0 : index
    %get3A_8 = arith.constant 0 : index
    %get3A_9 = vector.load %arg2[%get3A_7, %get3A_8] : memref<160x4096xi32, #tpu.memory_space<vmem>>, vector<160x4096xi32>
    %convert_element_type3A_10 = arith.sitofp %get3A_9 : vector<160x4096xi32> to vector<160x4096xbf16>
    %dot_general3A_11 = arith.constant dense<0.000000e+00> : vector<128x4096xf32>
    %dot_general3A_12 = tpu.matmul %slice3A_6, %convert_element_type3A_10, %dot_general3A_11 {dimension_numbers = #tpu.dot_dimension_numbers<[1], [0], [0], [1], [0, 0, 1, 1], [], []>, transpose_lhs_hint = false} : vector<128x160xbf16>, vector<160x4096xbf16>, vector<128x4096xf32> -> vector<128x4096xf32>
    %add3A = arith.addf %dot_general3A_5, %dot_general3A_12 : vector<128x4096xf32>
    %slice3A_13 = vector.extract_strided_slice %get3A_4 {offsets = [0, 320], sizes = [128, 160], strides = [1, 1]} : vector<128x640xbf16> to vector<128x160xbf16>
    %get3A_14 = arith.constant 0 : index
    %get3A_15 = arith.constant 0 : index
    %get3A_16 = vector.load %arg3[%get3A_14, %get3A_15] : memref<160x4096xi32, #tpu.memory_space<vmem>>, vector<160x4096xi32>
    %convert_element_type3A_17 = arith.sitofp %get3A_16 : vector<160x4096xi32> to vector<160x4096xbf16>
    %dot_general3A_18 = arith.constant dense<0.000000e+00> : vector<128x4096xf32>
    %dot_general3A_19 = tpu.matmul %slice3A_13, %convert_element_type3A_17, %dot_general3A_18 {dimension_numbers = #tpu.dot_dimension_numbers<[1], [0], [0], [1], [0, 0, 1, 1], [], []>, transpose_lhs_hint = false} : vector<128x160xbf16>, vector<160x4096xbf16>, vector<128x4096xf32> -> vector<128x4096xf32>
    %add3A_20 = arith.addf %add3A, %dot_general3A_19 : vector<128x4096xf32>
    %slice3A_21 = vector.extract_strided_slice %get3A_4 {offsets = [0, 480], sizes = [128, 160], strides = [1, 1]} : vector<128x640xbf16> to vector<128x160xbf16>
    %get3A_22 = arith.constant 0 : index
    %get3A_23 = arith.constant 0 : index
    %get3A_24 = vector.load %arg4[%get3A_22, %get3A_23] : memref<160x4096xi32, #tpu.memory_space<vmem>>, vector<160x4096xi32>
    %convert_element_type3A_25 = arith.sitofp %get3A_24 : vector<160x4096xi32> to vector<160x4096xbf16>
    %dot_general3A_26 = arith.constant dense<0.000000e+00> : vector<128x4096xf32>
    %dot_general3A_27 = tpu.matmul %slice3A_21, %convert_element_type3A_25, %dot_general3A_26 {dimension_numbers = #tpu.dot_dimension_numbers<[1], [0], [0], [1], [0, 0, 1, 1], [], []>, transpose_lhs_hint = false} : vector<128x160xbf16>, vector<160x4096xbf16>, vector<128x4096xf32> -> vector<128x4096xf32>
    %add3A_28 = arith.addf %add3A_20, %dot_general3A_27 : vector<128x4096xf32>
    %eq3A = arith.constant 0 : i32
    %eq3A_29 = arith.cmpi eq, %arg0, %eq3A : i32
    %convert_element_type3A_30 = arith.extui %eq3A_29 : i1 to i32
    %cond3A = arith.constant 0 : i32
    %cond3A_31 = arith.cmpi ne, %convert_element_type3A_30, %cond3A : i32
    scf.if %cond3A_31 {
      %swap3A = arith.constant 0 : index
      %swap3A_41 = arith.constant 0 : index
      %swap3A_42 = vector.load %arg9[%swap3A, %swap3A_41] : memref<128x4096xf32, #tpu.memory_space<vmem>>, vector<128x4096xf32>
      tpu.vector_store %arg9[%swap3A, %swap3A_41], %add3A_28 {strides = array<i32>} : memref<128x4096xf32, #tpu.memory_space<vmem>>, vector<128x4096xf32>,
      %slice3A_43 = vector.extract_strided_slice %get3A_1 {offsets = [1, 0], sizes = [1, 4096], strides = [1, 1]} : vector<160x4096xi32> to vector<1x4096xi32>
      %iota3A = tpu.iota {dimensions = array<i32: 0>} : vector<128x4096xi32>
      %eq3A_44 = vector.broadcast %slice3A_43 : vector<1x4096xi32> to vector<128x4096xi32>
      %eq3A_45 = arith.cmpi eq, %iota3A, %eq3A_44 : vector<128x4096xi32>
      %convert_element_type3A_46 = arith.extui %eq3A_45 : vector<128x4096xi1> to vector<128x4096xi32>
      %convert_element_type3A_47 = arith.sitofp %convert_element_type3A_46 : vector<128x4096xi32> to vector<128x4096xf32>
      %convert_element_type3A_48 = arith.truncf %convert_element_type3A_47 : vector<128x4096xf32> to vector<128x4096xbf16>
      %get3A_49 = arith.constant 0 : index
      %get3A_50 = arith.constant 0 : index
      %get3A_51 = vector.load %arg6[%get3A_49, %get3A_50] : memref<32x128xbf16, #tpu.memory_space<vmem>>, vector<32x128xbf16>
      %dot_general3A_52 = arith.constant dense<0.000000e+00> : vector<32x4096xf32>
      %dot_general3A_53 = tpu.matmul %get3A_51, %convert_element_type3A_48, %dot_general3A_52 {dimension_numbers = #tpu.dot_dimension_numbers<[1], [0], [0], [1], [0, 0, 1, 1], [], []>, transpose_lhs_hint = false} : vector<32x128xbf16>, vector<128x4096xbf16>, vector<32x4096xf32> -> vector<32x4096xf32>
      %swap3A_54 = arith.constant 32 : index
      %swap3A_55 = arith.constant 0 : index
      %swap3A_56 = vector.load %arg8[%swap3A_54, %swap3A_55] : memref<160x4096xf32, #tpu.memory_space<vmem>>, vector<32x4096xf32>
      tpu.vector_store %arg8[%swap3A_54, %swap3A_55], %dot_general3A_53 {strides = array<i32>} : memref<160x4096xf32, #tpu.memory_space<vmem>>, vector<32x4096xf32>,
      %get3A_57 = arith.constant 0 : index
      %get3A_58 = arith.constant 0 : index
      %get3A_59 = vector.load %arg7[%get3A_57, %get3A_58] : memref<4096x128xf32, #tpu.memory_space<vmem>>, vector<4096x128xf32>
      %transpose3A = tpu.transpose %get3A_59, [1, 0] : vector<4096x128xf32> -> vector<128x4096xf32>
      %slice3A_60 = vector.extract_strided_slice %get3A_1 {offsets = [0, 0], sizes = [1, 4096], strides = [1, 1]} : vector<160x4096xi32> to vector<1x4096xi32>
      %jit3A = arith.constant 25600 : i32
      %div3A = vector.broadcast %jit3A : i32 to vector<1x4096xi32>
      %div3A_61 = arith.divsi %slice3A_60, %div3A : vector<1x4096xi32>
      %sign3A = arith.constant 0 : i32
      %sign3A_62 = vector.broadcast %sign3A : i32 to vector<1x4096xi32>
      %sign3A_63 = arith.cmpi sgt, %slice3A_60, %sign3A_62 : vector<1x4096xi32>
      %sign3A_64 = arith.extui %sign3A_63 : vector<1x4096xi1> to vector<1x4096xi32>
      %sign3A_65 = arith.constant 0 : i32
      %sign3A_66 = vector.broadcast %sign3A_65 : i32 to vector<1x4096xi32>
      %sign3A_67 = arith.cmpi slt, %slice3A_60, %sign3A_66 : vector<1x4096xi32>
      %sign3A_68 = arith.extui %sign3A_67 : vector<1x4096xi1> to vector<1x4096xi32>
      %sign3A_69 = arith.subi %sign3A_64, %sign3A_68 : vector<1x4096xi32>
      %sign3A_70 = arith.constant 0 : i32
      %sign3A_71 = arith.cmpi sgt, %jit3A, %sign3A_70 : i32
      %sign3A_72 = arith.extui %sign3A_71 : i1 to i32
      %sign3A_73 = arith.constant 0 : i32
      %sign3A_74 = arith.cmpi slt, %jit3A, %sign3A_73 : i32
      %sign3A_75 = arith.extui %sign3A_74 : i1 to i32
      %sign3A_76 = arith.subi %sign3A_72, %sign3A_75 : i32
      %ne3A = vector.broadcast %sign3A_76 : i32 to vector<1x4096xi32>
      %ne3A_77 = arith.cmpi ne, %sign3A_69, %ne3A : vector<1x4096xi32>
      %rem3A = vector.broadcast %jit3A : i32 to vector<1x4096xi32>
      %rem3A_78 = arith.remsi %slice3A_60, %rem3A : vector<1x4096xi32>
      %ne3A_79 = arith.constant 0 : i32
      %ne3A_80 = vector.broadcast %ne3A_79 : i32 to vector<1x4096xi32>
      %ne3A_81 = arith.cmpi ne, %rem3A_78, %ne3A_80 : vector<1x4096xi32>
      %and3A = arith.andi %ne3A_77, %ne3A_81 : vector<1x4096xi1>
      %sub3A = arith.constant 1 : i32
      %sub3A_82 = vector.broadcast %sub3A : i32 to vector<1x4096xi32>
      %sub3A_83 = arith.subi %div3A_61, %sub3A_82 : vector<1x4096xi32>
      %select_n3A = arith.select %and3A, %sub3A_83, %div3A_61 : vector<1x4096xi1>, vector<1x4096xi32>
      %broadcast_in_dim3A = arith.constant 0.000000e+00 : f32
      %broadcast_in_dim3A_84 = vector.broadcast %broadcast_in_dim3A : f32 to vector<32x4096xf32>
      %eq3A_85 = arith.constant 0 : i32
      %eq3A_86 = vector.broadcast %eq3A_85 : i32 to vector<1x4096xi32>
      %eq3A_87 = arith.cmpi eq, %select_n3A, %eq3A_86 : vector<1x4096xi32>
      %slice3A_88 = vector.extract_strided_slice %transpose3A {offsets = [0, 0], sizes = [32, 4096], strides = [1, 1]} : vector<128x4096xf32> to vector<32x4096xf32>
      %jit3A_89 = arith.constant 0.000000e+00 : f32
      %broadcast_in_dim3A_90 = vector.shape_cast %eq3A_87 : vector<1x4096xi1> to vector<1x4096xi1>
      %broadcast_in_dim3A_91 = vector.broadcast %broadcast_in_dim3A_90 : vector<1x4096xi1> to vector<32x4096xi1>
      %broadcast_in_dim3A_92 = vector.broadcast %jit3A_89 : f32 to vector<32x4096xf32>
      %select_n3A_93 = arith.select %broadcast_in_dim3A_91, %slice3A_88, %broadcast_in_dim3A_92 : vector<32x4096xi1>, vector<32x4096xf32>
      %add3A_94 = arith.addf %broadcast_in_dim3A_84, %select_n3A_93 : vector<32x4096xf32>
      %eq3A_95 = arith.constant 1 : i32
      %eq3A_96 = vector.broadcast %eq3A_95 : i32 to vector<1x4096xi32>
      %eq3A_97 = arith.cmpi eq, %select_n3A, %eq3A_96 : vector<1x4096xi32>
      %slice3A_98 = vector.extract_strided_slice %transpose3A {offsets = [32, 0], sizes = [32, 4096], strides = [1, 1]} : vector<128x4096xf32> to vector<32x4096xf32>
      %jit3A_99 = arith.constant 0.000000e+00 : f32
      %broadcast_in_dim3A_100 = vector.shape_cast %eq3A_97 : vector<1x4096xi1> to vector<1x4096xi1>
      %broadcast_in_dim3A_101 = vector.broadcast %broadcast_in_dim3A_100 : vector<1x4096xi1> to vector<32x4096xi1>
      %broadcast_in_dim3A_102 = vector.broadcast %jit3A_99 : f32 to vector<32x4096xf32>
      %select_n3A_103 = arith.select %broadcast_in_dim3A_101, %slice3A_98, %broadcast_in_dim3A_102 : vector<32x4096xi1>, vector<32x4096xf32>
      %add3A_104 = arith.addf %add3A_94, %select_n3A_103 : vector<32x4096xf32>
      %eq3A_105 = arith.constant 2 : i32
      %eq3A_106 = vector.broadcast %eq3A_105 : i32 to vector<1x4096xi32>
      %eq3A_107 = arith.cmpi eq, %select_n3A, %eq3A_106 : vector<1x4096xi32>
      %slice3A_108 = vector.extract_strided_slice %transpose3A {offsets = [64, 0], sizes = [32, 4096], strides = [1, 1]} : vector<128x4096xf32> to vector<32x4096xf32>
      %jit3A_109 = arith.constant 0.000000e+00 : f32
      %broadcast_in_dim3A_110 = vector.shape_cast %eq3A_107 : vector<1x4096xi1> to vector<1x4096xi1>
      %broadcast_in_dim3A_111 = vector.broadcast %broadcast_in_dim3A_110 : vector<1x4096xi1> to vector<32x4096xi1>
      %broadcast_in_dim3A_112 = vector.broadcast %jit3A_109 : f32 to vector<32x4096xf32>
      %select_n3A_113 = arith.select %broadcast_in_dim3A_111, %slice3A_108, %broadcast_in_dim3A_112 : vector<32x4096xi1>, vector<32x4096xf32>
      %add3A_114 = arith.addf %add3A_104, %select_n3A_113 : vector<32x4096xf32>
      %eq3A_115 = arith.constant 3 : i32
      %eq3A_116 = vector.broadcast %eq3A_115 : i32 to vector<1x4096xi32>
      %eq3A_117 = arith.cmpi eq, %select_n3A, %eq3A_116 : vector<1x4096xi32>
      %slice3A_118 = vector.extract_strided_slice %transpose3A {offsets = [96, 0], sizes = [32, 4096], strides = [1, 1]} : vector<128x4096xf32> to vector<32x4096xf32>
      %jit3A_119 = arith.constant 0.000000e+00 : f32
      %broadcast_in_dim3A_120 = vector.shape_cast %eq3A_117 : vector<1x4096xi1> to vector<1x4096xi1>
      %broadcast_in_dim3A_121 = vector.broadcast %broadcast_in_dim3A_120 : vector<1x4096xi1> to vector<32x4096xi1>
      %broadcast_in_dim3A_122 = vector.broadcast %jit3A_119 : f32 to vector<32x4096xf32>
      %select_n3A_123 = arith.select %broadcast_in_dim3A_121, %slice3A_118, %broadcast_in_dim3A_122 : vector<32x4096xi1>, vector<32x4096xf32>
      %add3A_124 = arith.addf %add3A_114, %select_n3A_123 : vector<32x4096xf32>
      %swap3A_125 = arith.constant 0 : index
      %swap3A_126 = arith.constant 0 : index
      %swap3A_127 = vector.load %arg8[%swap3A_125, %swap3A_126] : memref<160x4096xf32, #tpu.memory_space<vmem>>, vector<32x4096xf32>
      tpu.vector_store %arg8[%swap3A_125, %swap3A_126], %add3A_124 {strides = array<i32>} : memref<160x4096xf32, #tpu.memory_space<vmem>>, vector<32x4096xf32>,
    } else {
    }
    %gt3A = arith.constant 0 : i32
    %gt3A_32 = arith.cmpi sgt, %arg0, %gt3A : i32
    %convert_element_type3A_33 = arith.extui %gt3A_32 : i1 to i32
    %cond3A_34 = arith.constant 0 : i32
    %cond3A_35 = arith.cmpi ne, %convert_element_type3A_33, %cond3A_34 : i32
    scf.if %cond3A_35 {
      %get3A_41 = arith.constant 0 : index
      %get3A_42 = arith.constant 0 : index
      %get3A_43 = vector.load %arg9[%get3A_41, %get3A_42] : memref<128x4096xf32, #tpu.memory_space<vmem>>, vector<128x4096xf32>
      %add3A_44 = arith.addf %get3A_43, %add3A_28 : vector<128x4096xf32>
      %swap3A = arith.constant 0 : index
      %swap3A_45 = arith.constant 0 : index
      %swap3A_46 = vector.load %arg9[%swap3A, %swap3A_45] : memref<128x4096xf32, #tpu.memory_space<vmem>>, vector<128x4096xf32>
      tpu.vector_store %arg9[%swap3A, %swap3A_45], %add3A_44 {strides = array<i32>} : memref<128x4096xf32, #tpu.memory_space<vmem>>, vector<128x4096xf32>,
    } else {
    }
    %eq3A_36 = arith.constant 3 : i32
    %eq3A_37 = arith.cmpi eq, %arg0, %eq3A_36 : i32
    %convert_element_type3A_38 = arith.extui %eq3A_37 : i1 to i32
    %cond3A_39 = arith.constant 0 : i32
    %cond3A_40 = arith.cmpi ne, %convert_element_type3A_38, %cond3A_39 : i32
    scf.if %cond3A_40 {
      %get3A_41 = arith.constant 0 : index
      %get3A_42 = arith.constant 0 : index
      %get3A_43 = vector.load %arg9[%get3A_41, %get3A_42] : memref<128x4096xf32, #tpu.memory_space<vmem>>, vector<128x4096xf32>
      %slice3A_44 = vector.extract_strided_slice %get3A_43 {offsets = [96, 0], sizes = [1, 4096], strides = [1, 1]} : vector<128x4096xf32> to vector<1x4096xf32>
      %eq3A_45 = arith.constant 0.000000e+00 : f32
      %eq3A_46 = vector.broadcast %eq3A_45 : f32 to vector<1x4096xf32>
      %eq3A_47 = arith.cmpf oeq, %slice3A_44, %eq3A_46 : vector<1x4096xf32>
      %slice3A_48 = vector.extract_strided_slice %get3A_43 {offsets = [96, 0], sizes = [1, 4096], strides = [1, 1]} : vector<128x4096xf32> to vector<1x4096xf32>
      %jit3A = arith.constant 1.000000e+00 : f32
      %broadcast_in_dim3A = vector.broadcast %jit3A : f32 to vector<1x4096xf32>
      %select_n3A = arith.select %eq3A_47, %broadcast_in_dim3A, %slice3A_48 : vector<1x4096xi1>, vector<1x4096xf32>
      %slice3A_49 = vector.extract_strided_slice %get3A_43 {offsets = [97, 0], sizes = [1, 4096], strides = [1, 1]} : vector<128x4096xf32> to vector<1x4096xf32>
      %eq3A_50 = arith.constant 0.000000e+00 : f32
      %eq3A_51 = vector.broadcast %eq3A_50 : f32 to vector<1x4096xf32>
      %eq3A_52 = arith.cmpf oeq, %slice3A_49, %eq3A_51 : vector<1x4096xf32>
      %slice3A_53 = vector.extract_strided_slice %get3A_43 {offsets = [97, 0], sizes = [1, 4096], strides = [1, 1]} : vector<128x4096xf32> to vector<1x4096xf32>
      %jit3A_54 = arith.constant 1.000000e+00 : f32
      %broadcast_in_dim3A_55 = vector.broadcast %jit3A_54 : f32 to vector<1x4096xf32>
      %select_n3A_56 = arith.select %eq3A_52, %broadcast_in_dim3A_55, %slice3A_53 : vector<1x4096xi1>, vector<1x4096xf32>
      %slice3A_57 = vector.extract_strided_slice %get3A_43 {offsets = [98, 0], sizes = [1, 4096], strides = [1, 1]} : vector<128x4096xf32> to vector<1x4096xf32>
      %eq3A_58 = arith.constant 0.000000e+00 : f32
      %eq3A_59 = vector.broadcast %eq3A_58 : f32 to vector<1x4096xf32>
      %eq3A_60 = arith.cmpf oeq, %slice3A_57, %eq3A_59 : vector<1x4096xf32>
      %slice3A_61 = vector.extract_strided_slice %get3A_43 {offsets = [98, 0], sizes = [1, 4096], strides = [1, 1]} : vector<128x4096xf32> to vector<1x4096xf32>
      %jit3A_62 = arith.constant 1.000000e+00 : f32
      %broadcast_in_dim3A_63 = vector.broadcast %jit3A_62 : f32 to vector<1x4096xf32>
      %select_n3A_64 = arith.select %eq3A_60, %broadcast_in_dim3A_63, %slice3A_61 : vector<1x4096xi1>, vector<1x4096xf32>
      %slice3A_65 = vector.extract_strided_slice %get3A_43 {offsets = [0, 0], sizes = [32, 4096], strides = [1, 1]} : vector<128x4096xf32> to vector<32x4096xf32>
      %div3A = vector.broadcast %select_n3A : vector<1x4096xf32> to vector<32x4096xf32>
      %div3A_66 = arith.divf %slice3A_65, %div3A : vector<32x4096xf32>
      %slice3A_67 = vector.extract_strided_slice %get3A_43 {offsets = [32, 0], sizes = [32, 4096], strides = [1, 1]} : vector<128x4096xf32> to vector<32x4096xf32>
      %div3A_68 = vector.broadcast %select_n3A_56 : vector<1x4096xf32> to vector<32x4096xf32>
      %div3A_69 = arith.divf %slice3A_67, %div3A_68 : vector<32x4096xf32>
      %slice3A_70 = vector.extract_strided_slice %get3A_43 {offsets = [64, 0], sizes = [32, 4096], strides = [1, 1]} : vector<128x4096xf32> to vector<32x4096xf32>
      %div3A_71 = vector.broadcast %select_n3A_64 : vector<1x4096xf32> to vector<32x4096xf32>
      %div3A_72 = arith.divf %slice3A_70, %div3A_71 : vector<32x4096xf32>
      %concatenate3A = tpu.concatenate %div3A_66, %div3A_69, %div3A_72 in 0 : vector<32x4096xf32>, vector<32x4096xf32>, vector<32x4096xf32> -> vector<96x4096xf32>
      %swap3A = arith.constant 64 : index
      %swap3A_73 = arith.constant 0 : index
      %swap3A_74 = vector.load %arg8[%swap3A, %swap3A_73] : memref<160x4096xf32, #tpu.memory_space<vmem>>, vector<96x4096xf32>
      tpu.vector_store %arg8[%swap3A, %swap3A_73], %concatenate3A {strides = array<i32>} : memref<160x4096xf32, #tpu.memory_space<vmem>>, vector<96x4096xf32>,
    } else {
    }
    return
  }
  func.func @transform_0(%arg0: i32) -> (i32, i32) {
    %mul3A = arith.constant 4 : i32
    %mul3A_0 = arith.muli %mul3A, %arg0 : i32
    %add3A = arith.constant 0 : i32
    %add3A_1 = arith.addi %mul3A_0, %add3A : i32
    %c0_i32 = arith.constant 0 : i32
    %c0_i32_2 = arith.constant 0 : i32
    return %add3A_1, %c0_i32 : i32, i32
  }
  func.func @transform_1(%arg0: i32) -> (i32, i32) {
    %mul3A = arith.constant 4 : i32
    %mul3A_0 = arith.muli %mul3A, %arg0 : i32
    %add3A = arith.constant 1 : i32
    %add3A_1 = arith.addi %mul3A_0, %add3A : i32
    %c0_i32 = arith.constant 0 : i32
    %c0_i32_2 = arith.constant 0 : i32
    return %add3A_1, %c0_i32 : i32, i32
  }
  func.func @transform_2(%arg0: i32) -> (i32, i32) {
    %mul3A = arith.constant 4 : i32
    %mul3A_0 = arith.muli %mul3A, %arg0 : i32
    %add3A = arith.constant 2 : i32
    %add3A_1 = arith.addi %mul3A_0, %add3A : i32
    %c0_i32 = arith.constant 0 : i32
    %c0_i32_2 = arith.constant 0 : i32
    return %add3A_1, %c0_i32 : i32, i32
  }
  func.func @transform_3(%arg0: i32) -> (i32, i32) {
    %mul3A = arith.constant 4 : i32
    %mul3A_0 = arith.muli %mul3A, %arg0 : i32
    %add3A = arith.constant 3 : i32
    %add3A_1 = arith.addi %mul3A_0, %add3A : i32
    %c0_i32 = arith.constant 0 : i32
    %c0_i32_2 = arith.constant 0 : i32
    return %add3A_1, %c0_i32 : i32, i32
  }
  func.func @transform_4(%arg0: i32) -> (i32, i32) {
    %c0_i32 = arith.constant 0 : i32
    %c0_i32_0 = arith.constant 0 : i32
    return %c0_i32, %arg0 : i32, i32
  }
  func.func @transform_5(%arg0: i32) -> (i32, i32) {
    %c0_i32 = arith.constant 0 : i32
    %c0_i32_0 = arith.constant 0 : i32
    %c0_i32_1 = arith.constant 0 : i32
    return %c0_i32, %c0_i32_0 : i32, i32
  }
  func.func @transform_6(%arg0: i32) -> (i32, i32) {
    %c0_i32 = arith.constant 0 : i32
    %c0_i32_0 = arith.constant 0 : i32
    %c0_i32_1 = arith.constant 0 : i32
    return %c0_i32, %c0_i32_0 : i32, i32
  }
  func.func @transform_7(%arg0: i32) -> (i32, i32) {
    %c0_i32 = arith.constant 0 : i32
    %c0_i32_0 = arith.constant 0 : i32
    %c0_i32_1 = arith.constant 0 : i32
    return %c0_i32, %c0_i32_0 : i32, i32
  }
}

</mosaic_0001>

<sc_bundles>
// kernel: kernel.5.cloned.1.call-start
scs
__scs_entry_jumppad:
0x0: {  	(pc) =	sbr.rel $0x88, $3  }
0x1: {  	(tag) =	ssettag $0x0;
	lr =	simm.s32 $0x1  }
0x2: {  	[smem:$0x3F9B] =	sst lr;
	_ =	strace $0xD0000000  }
0x3: {  	_ = 	snop  }
0x4: {  	_ = 	snop  }
0x5: {  	_ = 	snop  }
0x6: {  	_ = 	snop  }
0x7: {  	_ = 	snop  }
__scs_overlays_trampoline_lowered:
0x8: {  	[smem:$0x3FAA] =	sst s0  }
0x9: {  	[smem:$0x3FAB] =	sst s1  }
0xa: {  	[smem:$0x3FAC] =	sst s2  }
0xb: {  	[smem:$0x3FAD] =	sst s3  }
0xc: {  	[smem:$0x3FAE] =	sst s4  }
0xd: {  	[smem:$0x3FAF] =	sst s5  }
0xe: {  	[smem:$0x3FB0] =	sst s6  }
0xf: {  	[smem:$0x3FB1] =	sst s7  }
0x10: {  	[smem:$0x3FB2] =	sst s8  }
0x11: {  	[smem:$0x3FB3] =	sst s9;
	s0 =	simm.s32 @!p0 $0x0  }
0x12: {  	s1 =	sld [smem:$0x3F99];
	s0 =	simm.s32 @p0 $0x1  }
0x13: {  	[smem:$0x3FB4] =	sst s0;
	s0 =	simm.s32 @!p1 $0x0  }
0x14: {  	s2 =	sld [smem:$0x3F98];
	s0 =	simm.s32 @p1 $0x1  }
0x15: {  	[smem:$0x3FB5] =	sst s0;
	s0 =	simm.s32 @!p2 $0x0  }
0x16: {  	s3 =	sld [smem:$0x3FDB];
	s0 =	simm.s32 @p2 $0x1  }
0x17: {  	s4 =	simm.s32 $0x1BF5;
	[smem:$0x3FB7] =	sst s0  }
0x18: {  	s0 =	sld [smem:$0x3F9A];
	_ =	swait.ge [sflag:s4], $0x0  }
0x19: {  	s7 =	sld [smem:$0x3F9B]  }
0x1a: {  	s8 =	sadd.s32 $0xFFFFE003, lr  }
0x1b: {  	s9 =	sadd.s32 $0xFFFFFEF7, lr;
	s5 =	simm.s32 $0xFFFFFFFF;
	p2 =	slt.u32 s8, $0xFFFFF086  }
0x1c: {  	p1 =	slt.u32 s9, $0xF7A;
	s5 =	simm.s32 @!p2 $0x0  }
0x1d: {  	s5 =	simm.s32 @p1 $0x1;
	p0 =	seq.s32 s7, s2  }
0x1e: {  	s7 =	smul.u32 @!p0 $0xF7A, s2;
	p2 =	seq.s32 @!p0 s5, $0x0  }
0x1f: {  	s9 =	smul.u32 $0xF7A, s1;
	s8 =	simm.s32 @!p0 $0x1BF5;
	p2 =	por !p2, p0  }
0x20: {  	[sflag:s8] =	ssyncset.s32 @!p0 $0xFFFFF086;
	s6 =	sadd.s32 @!p0 s3, s7;
	s7 =	simm.s32 @!p0 $0x108  }
0x21: {  	s3 =	sadd.s32 s3, s9;
	s6 =	sadd.s32 @!p0 $0x88, s6;
	s7 =	simm.s32 @p2 $0x1082  }
0x22: {  	[simem:s7], [sflag:s8] =	dma.local @!p0 [hbm:s6], $0xF7A  }
0x23: {  	s9 =	sor.u32 $0xD0000000, s2;
	s6 =	simm.s32 $0x108;
	_ =	swait.ge @!p0 [sflag:s8], $0x0  }
0x24: {  	s3 =	sadd.s32 $0x88, s3;
	s6 =	simm.s32 @!p1 $0x1082;
	[sflag:s4] =	ssyncset.s32 $0xFFFFF086  }
0x25: {  	[simem:s6], [sflag:s4] =	dma.local [hbm:s3], $0xF7A  }
0x26: {  	[smem:$0x3F9B] =	sst s1;
	(tag) =	ssettag s2;
	_ =	strace s9  }
0x27: {  	s1 =	sld [smem:$0x3FAB]  }
0x28: {  	s2 =	sld [smem:$0x3FAC]  }
0x29: {  	s4 =	sld [smem:$0x3FAE]  }
0x2a: {  	p0 =	seq.s32 s5, $0x0;
	s5 =	sld [smem:$0x3FAF]  }
0x2b: {  	s6 =	sld [smem:$0x3FB0]  }
0x2c: {  	s7 =	sld [smem:$0x3FB1]  }
0x2d: {  	s3 =	simm.s32 $0x108;
	s8 =	sld [smem:$0x3FB2]  }
0x2e: {  	s3 =	simm.s32 @!p0 $0x1082;
	s9 =	sld [smem:$0x3FB3]  }
0x2f: {  	lr =	sadd.s32 s0, s3;
	s0 =	sld [smem:$0x3FAA]  }
0x30: {  	s3 =	sld [smem:$0x3FAD]  }
0x31: {  	[smem:$0x3FB6] =	sst s10  }
0x32: {  	s10 =	sld [smem:$0x3FB4];
	_ =	sdelay $0x3  }
0x33: {  	p0 =	seq.s32 s10, $0x1;
	s10 =	sld [smem:$0x3FB6];
	_ =	sdelay $0x3  }
0x34: {  	[smem:$0x3FB6] =	sst s10  }
0x35: {  	s10 =	sld [smem:$0x3FB5];
	_ =	sdelay $0x3  }
0x36: {  	p1 =	seq.s32 s10, $0x1;
	s10 =	sld [smem:$0x3FB6];
	_ =	sdelay $0x3  }
0x37: {  	[smem:$0x3FB6] =	sst s10  }
0x38: {  	s10 =	sld [smem:$0x3FB7]  }
0x39: {  	_ = 	snop;
	(pc) =	sbr.ind lr, $3  }
0x3a: {  	_ = 	snop  }
0x3b: {  	_ = 	snop  }
0x3c: {  	p2 =	seq.s32 s10, $0x1;
	s10 =	sld [smem:$0x3FB6]  }
0x3d: {  	_ =	shalt  }
0x3e: {  	_ =	shalt  }
0x3f: {  	_ =	shalt  }
0x40: {  	_ =	shalt  }
0x41: {  	_ =	shalt  }
0x42: {  	_ =	shalt  }
0x43: {  	_ =	shalt  }
0x44: {  	_ =	shalt  }
0x45: {  	_ =	shalt  }
0x46: {  	_ =	shalt  }
0x47: {  	_ =	shalt  }
0x48: {  	_ =	shalt  }
0x49: {  	_ =	shalt  }
0x4a: {  	_ =	shalt  }
0x4b: {  	_ =	shalt  }
0x4c: {  	_ =	shalt  }
0x4d: {  	_ =	shalt  }
0x4e: {  	_ =	shalt  }
0x4f: {  	_ =	shalt  }
0x50: {  	_ =	shalt  }
0x51: {  	_ =	shalt  }
0x52: {  	_ =	shalt  }
0x53: {  	_ =	shalt  }
0x54: {  	_ =	shalt  }
0x55: {  	_ =	shalt  }
0x56: {  	_ =	shalt  }
0x57: {  	_ =	shalt  }
0x58: {  	_ =	shalt  }
0x59: {  	_ =	shalt  }
0x5a: {  	_ =	shalt  }
0x5b: {  	_ =	shalt  }
0x5c: {  	_ =	shalt  }
0x5d: {  	_ =	shalt  }
0x5e: {  	_ =	shalt  }
0x5f: {  	_ =	shalt  }
0x60: {  	_ =	shalt  }
0x61: {  	_ =	shalt  }
0x62: {  	_ =	shalt  }
0x63: {  	_ =	shalt  }
0x64: {  	_ =	shalt  }
0x65: {  	_ =	shalt  }
0x66: {  	_ =	shalt  }
0x67: {  	_ =	shalt  }
0x68: {  	_ =	shalt  }
0x69: {  	_ =	shalt  }
0x6a: {  	_ =	shalt  }
0x6b: {  	_ =	shalt  }
0x6c: {  	_ =	shalt  }
0x6d: {  	_ =	shalt  }
0x6e: {  	_ =	shalt  }
0x6f: {  	_ =	shalt  }
0x70: {  	_ =	shalt  }
0x71: {  	_ =	shalt  }
0x72: {  	_ =	shalt  }
0x73: {  	_ =	shalt  }
0x74: {  	_ =	shalt  }
0x75: {  	_ =	shalt  }
0x76: {  	_ =	shalt  }
0x77: {  	_ =	shalt  }
0x78: {  	_ =	shalt  }
0x79: {  	_ =	shalt  }
0x7a: {  	_ =	shalt  }
0x7b: {  	_ =	shalt  }
0x7c: {  	_ =	shalt  }
0x7d: {  	_ =	shalt  }
0x7e: {  	_ =	shalt  }
0x7f: {  	_ =	shalt  }
0x80: {  	_ =	shalt  }
0x81: {  	_ =	shalt  }
0x82: {  	_ =	shalt  }
0x83: {  	_ =	shalt  }
0x84: {  	_ =	shalt  }
0x85: {  	_ =	shalt  }
0x86: {  	_ =	shalt  }
0x87: {  	_ =	shalt  }
.Lfunc_end0:
.L_simem_size_0:
called_computation_lowered:
.L_overlay_start_0:
0x88: {  	s2 =	sld [smem:$0x3FD9]  }
0x89: {  	s3 =	sld [smem:$0x3FFE];
	_ =	sdelay $0x1  }
0x8a: {  	s1 =	srdreg.scid  }
0x8b: {  	s0 =	sand.u32 $0x1, s1  }
0x8c: {  	s17 =	sshll.u32 s0, $0xA;
	s2 =	sadd.s32 s3, s2  }
0x8d: {  	s2 =	sadd.s32 s2, s17  }
0x8e: {  	[smem:$0x3FC2] =	sst s2  }
0x8f: {  	_ = 	snop  }
0x90: {  	s2 =	sld [smem:$0x3FD0];
	(tm) =	ssettm $0x1  }
0x91: {  	s18 =	sld [smem:$0x3FFB];
	_ =	sdelay $0x3  }
0x92: {  	_ =	strace s18  }
0x93: {  	s3 =	sld [smem:$0x3FFC];
	_ =	sdelay $0x3  }
0x94: {  	_ =	strace s3  }
0x95: {  	s3 =	sld [smem:$0x3FFD];
	_ =	sdelay $0x3  }
0x96: {  	_ =	strace s3  }
0x97: {  	_ =	strace $0x8FFFFFFF  }
0x98: {  	s19 =	sld [smem:$0x3FDB];
	_ =	sdelay $0x1  }
0x99: {  	s4 =	simm.s32 $_scs_section_size  }
0x9a: {  	s5 =	simm.s32 $_size__tile_overlayer_lowered;
	s6 =	simm.s32 $_tile_overlayer_lowered  }
0x9b: {  	s22 =	simm.s32 $0x1BFF;
	s21 =	sshll.u32 s6, $0x1;
	s3 =	sadd.s32 s4, s19  }
0x9c: {  	s7 =	simm.s32 $0x0;
	s20 =	sshll.u32 s5, $0x1;
	s5 =	sadd.s32 s21, s3  }
0x9d: {  	[timem:s7], [sflag:s22] =	dma.local [hbm:s5], s20  }
0x9e: {  	_ =	swait.ge [sflag:s22], s20  }
0x9f: {  	s4 =	ssub.s32 $0x0, s20;
	[sflag:s22] =	ssyncset.done $0x0  }
0xa0: {  	[sflag:s22] =	ssyncadd.s32 s4;
	_ =	sdelay $0x1  }
0xa1: {  	s23 =	simm.s32 $0x1B8B  }
0xa2: {  	_ =	swait.ge [sflag:s23], $0x1  }
0xa3: {  	[sflag:s23] =	ssyncset.done $0x0  }
0xa4: {  	s25 =	simm.s32 $0x1B8E;
	s24 =	sld [smem:$0x3FFE];
	[sflag:s23] =	ssyncadd.s32 $0xFFFFFFFF  }
0xa5: {  	s26 =	simm.s32 $execute0_lowered;
	[smem:$0x3FD2] =	sst s25  }
0xa6: {  	s5 =	sshll.u32 s26, $0x1;
	_ =	strace $0x80000046;
	[dreg:$0x1] =	wrdreg $0xFFFFFFFF  }
0xa7: {  	s28 =	simm.s32 $_size_execute0_lowered;
	s3 =	sadd.s32 s3, s5;
	[dreg:$0x0] =	wrdreg $0x0  }
0xa8: {  	s5 =	sshll.u32 s28, $0x1;
	[dreg:$0x2] =	wrdreg s3  }
0xa9: {  	[dreg:$0x3] =	wrdreg s5  }
0xaa: {  	[dreg:$0x4] =	wrdreg $0xC0  }
0xab: {  	_ =	task [dreg:s7], $0x5FFFF  }
0xac: {  	[dreg:$0x1] =	wrdreg $0xFFFFFFFF  }
0xad: {  	[dreg:$0x0] =	wrdreg $0x60  }
0xae: {  	[dreg:$0x2] =	wrdreg s24  }
0xaf: {  	[dreg:$0x3] =	wrdreg s2  }
0xb0: {  	[dreg:$0x4] =	wrdreg $0x9  }
0xb1: {  	_ =	task.clear_ibuf [dreg:s7], $0x5FFFF;
	_ =	strace $0x90000046  }
0xb2: {  	s29 =	simm.s32 $0x9;
	_ =	strace $0x80000048  }
0xb3: {  	_ =	swait.ge [sflag:s29], $0x1  }
0xb4: {  	[sflag:s29] =	ssyncadd.s32 $0xFFFFFFFF  }
0xb5: {  	_ =	strace $0x90000048  }
0xb6: {  	_ =	sfence  }
0xb7: {  	s30 =	sld [smem:$0x0];
	_ =	sdelay $0x2  }
0xb8: {  	s31 =	sshll.u32 s1, $0xD;
	s1 =	sshrl.u32 s1, $0x2  }
0xb9: {  	s3 =	sand.u32 $0x4000, s31;
	s1 =	sadd.s32 s1, s30  }
0xba: {  	s0 =	sor.u32 s3, s0;
	s1 =	sshll.u32 s1, $0x11  }
0xbb: {  	s0 =	sor.u32 s1, s0  }
0xbc: {  	s0 =	sadd.s32 $0x8F2B, s0  }
0xbd: {  	[sflag:s0] =	ssyncadd.remote.s32 $0x1  }
0xbe: {  	_ =	sfence.sel $0xFFFF  }
0xbf: {  	[dreg:$0x0] =	wrdreg $0xFFFFFFFF;
	(pc) =	sbr.abs _section_cstart, $3  }
0xc0: {  	[dreg:$0x1] =	wrdreg $0xFFFFFFFF  }
0xc1: {  	_ =	task.clear_ibuf [dreg:s7], $0x2FFFF;
	_ =	strace $0x9FFFFFFF  }
0xc2: {  	(tm) =	ssettm $0x7FFFFFFF  }
0xc3: {  	_ =	shalt  }
tec
execute0_lowered:
.L_overlay_start_1:
0x0: {  	(tag) =	ssettag $0x1  }
0x1: {  	s0 =	rddreg [dreg:$0x0]  }
0x2: {  	s1 =	rddreg [dreg:$0x1]  }
0x3: {  	s2 =	srdreg.scid;
	s3 =	stileid.u32  }
0x4: {  	v0 =	vimm.s32 $0xECA86420;
	s5 =	simm.s32 $0x0;
	vm0 =	vcmask $0xB08;
	vm1 =	vcmask $0x1310;
	s2 =	sand.u32 $0x1, s2;
	s3 =	sshll.u32 s3, $0x8  }
0x5: {  	vm2 =	vcmask $0x1B18;
	vm3 =	vcmask $0x300;
	vm4 =	vcmask $0x2320;
	[smem:$0x7FF] =	sst s5;
	s28 =	sadd.s32 $0x1400, s0;
	s4 =	sshll.u32 s2, $0x7  }
0x6: {  	vm5 =	vcmask $0x2B28;
	vm6 =	vcmask $0x3330;
	vm7 =	vcmask $0x3B38;
	_ =	strace $0x80000047;
	[dreg:$0x4] =	wrdreg s28;
	s3 =	sor.u32 s4, s3  }
0x7: {  	v1 =	vlaneseq.u32;
	vm8 =	vmmov $0xff;
	vm9 =	vcmask $0x704;
	s2 =	ssub.s32 $0x2, s2;
	s29 =	sshrl.u32 s3, $0x3;
	s3 =	sshll.u32 s3, $0x4  }
0x8: {  	vm10 =	vcmask $0xF0C;
	vm11 =	vcmask $0x1714;
	v0 =	vunpack.c.l.s4.s8 v0;
	s30 =	sshrl.u32 s2, $0x1;
	s0 =	sadd.s32 s29, s0;
	s31 =	sadd.s32 s1, s3  }
0x9: {  	vm12 =	vcmask $0x1F1C;
	vm13 =	vcmask $0x2724;
	vm14 =	vcmask $0x2F2C;
	s2 =	ssub.s32 s2, s30;
	s0 =	sadd.s32 $0x65400, s0;
	[dreg:$0x5] =	wrdreg s31  }
0xa: {  	vm15 =	vcmask $0x3734;
	v1 =	vmul.u32 $0x2, v1;
	v0 =	vunpack.c.0.s8.s32 v0;
	[dreg:$0x3] =	wrdreg s0;
	s0 =	smax.u32 s2, $0x1  }
.LBB2_1:
0xb: {  	[dreg:$0x6] =	wrdreg s0  }
0xc: {  	s25 =	rddreg [dreg:$0x3];
	s1 =	simm.s32 $0x0;
	s26 =	simm.s32 $0x2  }
0xd: {  	[tilespmem:s1], [sflag:$0x2] =	stream.linear.gather [hbm4b:s25+s1], $0x80, $0x38;
	[tilespmem:$0x4100] =	vst v63  }
0xe: {  	_ =	swait.ge [sflag:s26], $0x80  }
0xf: {  	[sflag:s26] =	ssyncset.done $0x0  }
0x10: {  	[sflag:s26] =	ssyncadd.s32 $0xFFFFFF80  }
0x11: {  	v3 =	vld [tilespmem:$0x0];
	_ =	sdelay $0x4  }
0x12: {  	(v2sf) =	vpush v3, $0xD;
	_ =	sdelay $0x1  }
0x13: {  	(v2sf) =	vpush v3, $0xC;
	_ =	sdelay $0x1  }
0x14: {  	(v2sf) =	vpush v3, $0xE;
	_ =	sdelay $0x1  }
0x15: {  	(v2sf) =	vpush v3, $0xF;
	_ =	sdelay $0x1  }
0x16: {  	(v2sf) =	vpush v3, $0x9;
	_ =	sdelay $0x1  }
0x17: {  	(v2sf) =	vpush v3, $0x8;
	_ =	sdelay $0x1  }
0x18: {  	(v2sf) =	vpush v3, $0xA  }
0x19: {  	(v2sf) =	vpush v3, $0xB;
	_ =	sdelay $0x1  }
0x1a: {  	s28 =	spop (v2sf)  }
0x1b: {  	(v2sf) =	vpush v3, $0x0;
	s29 =	smulhi.u32 $0x51EB851F, s28;
	s0 =	sshra.s32 s28, $0x1F  }
0x1c: {  	s30 =	spop (v2sf);
	s14 =	smul.u32 $0x51EB851F, s0  }
0x1d: {  	(v2sf) =	vpush v3, $0x1;
	s13 =	smulhi.u32 $0x51EB851F, s30;
	s0 =	sshra.s32 s30, $0x1F  }
0x1e: {  	s31 =	spop (v2sf);
	s16 =	smul.u32 $0x51EB851F, s0  }
0x1f: {  	(v2sf) =	vpush v3, $0x2;
	s15 =	smulhi.u32 $0x51EB851F, s31;
	s0 =	sshra.s32 s31, $0x1F  }
0x20: {  	s1 =	spop (v2sf);
	s18 =	smul.u32 $0x51EB851F, s0  }
0x21: {  	(v2sf) =	vpush v3, $0x3;
	s17 =	smulhi.u32 $0x51EB851F, s1;
	s0 =	sshra.s32 s1, $0x1F  }
0x22: {  	s2 =	spop (v2sf);
	s20 =	smul.u32 $0x51EB851F, s0  }
0x23: {  	(v2sf) =	vpush v3, $0x4;
	s19 =	smulhi.u32 $0x51EB851F, s2;
	s0 =	sshra.s32 s2, $0x1F  }
0x24: {  	s3 =	spop (v2sf);
	(v2sf) =	vpush v3, $0x5;
	s22 =	smul.u32 $0x51EB851F, s0  }
0x25: {  	v2 =	vld [tilespmem:$0x10];
	s21 =	smulhi.u32 $0x51EB851F, s3;
	s0 =	sshra.s32 s3, $0x1F  }
0x26: {  	s4 =	spop (v2sf);
	(v2sf) =	vpush v3, $0x6;
	s24 =	smul.u32 $0x51EB851F, s0  }
0x27: {  	s23 =	smulhi.u32 $0x51EB851F, s4;
	s0 =	sshra.s32 s4, $0x1F;
	s5 =	spop (v2sf);
	(v2sf) =	vpush v3, $0x7  }
0x28: {  	s26 =	smul.u32 $0x51EB851F, s0  }
0x29: {  	[smem:$0x73F] =	sst s29;
	s25 =	smulhi.u32 $0x51EB851F, s5;
	s0 =	sshra.s32 s5, $0x1F  }
0x2a: {  	s29 =	smul.u32 $0x51EB851F, s0;
	s6 =	spop (v2sf);
	(v2sf) =	vpush v2, $0xD  }
0x2b: {  	s28 =	smulhi.u32 $0x51EB851F, s6;
	s0 =	sshra.s32 s6, $0x1F  }
0x2c: {  	s7 =	spop (v2sf);
	s10 =	smul.u32 $0x51EB851F, s0  }
0x2d: {  	(v2sf) =	vpush v2, $0xC;
	s30 =	smulhi.u32 $0x51EB851F, s7;
	s0 =	sshra.s32 s7, $0x1F  }
0x2e: {  	s8 =	spop (v2sf);
	s1 =	smul.u32 $0x51EB851F, s0  }
0x2f: {  	s31 =	smulhi.u32 $0x51EB851F, s8;
	s0 =	sshra.s32 s8, $0x1F  }
0x30: {  	(v2sf) =	vpush v2, $0xE;
	s9 =	spop (v2sf);
	s3 =	smul.u32 $0x51EB851F, s0  }
0x31: {  	s2 =	smulhi.u32 $0x51EB851F, s9;
	s0 =	sshra.s32 s9, $0x1F  }
0x32: {  	s11 =	spop (v2sf);
	s4 =	smul.u32 $0x51EB851F, s0  }
0x33: {  	(v2sf) =	vpush v2, $0xF;
	s12 =	smulhi.u32 $0x51EB851F, s11;
	s0 =	sshra.s32 s11, $0x1F;
	s5 =	spop (v2sf)  }
0x34: {  	[smem:$0x740] =	sst s2;
	s7 =	smul.u32 $0x51EB851F, s0  }
0x35: {  	s6 =	smulhi.u32 $0x51EB851F, s5;
	s8 =	spop (v2sf)  }
0x36: {  	(v2sf) =	vpush v2, $0x9;
	s0 =	sshra.s32 s5, $0x1F;
	s9 =	smulhi.u32 $0x51EB851F, s8;
	s11 =	spop (v2sf)  }
0x37: {  	[smem:$0x742] =	sst s6;
	s6 =	smul.u32 $0x51EB851F, s0  }
0x38: {  	[smem:$0x741] =	sst s12;
	s0 =	sshra.s32 s8, $0x1F;
	s5 =	smulhi.u32 $0x51EB851F, s11  }
0x39: {  	(v2sf) =	vpush v2, $0x8;
	s2 =	smul.u32 $0x51EB851F, s0;
	s0 =	sshra.s32 s11, $0x1F;
	s12 =	spop (v2sf)  }
0x3a: {  	[smem:$0x744] =	sst s5;
	s5 =	smul.u32 $0x51EB851F, s0;
	s0 =	sshra.s32 s12, $0x1F  }
0x3b: {  	(v2sf) =	vpush v2, $0xA;
	[smem:$0x743] =	sst s9;
	s0 =	smul.u32 $0x51EB851F, s0  }
0x3c: {  	s8 =	smulhi.u32 $0x51EB851F, s12;
	s9 =	spop (v2sf)  }
0x3d: {  	(v2sf) =	vpush v2, $0xB;
	s11 =	smulhi.u32 $0x51EB851F, s9;
	[smem:$0x746] =	sst s0;
	s0 =	sshra.s32 s9, $0x1F  }
0x3e: {  	s0 =	smul.u32 $0x51EB851F, s0  }
0x3f: {  	(v2sf) =	vpush v2, $0x0;
	s12 =	spop (v2sf);
	[smem:$0x745] =	sst s8  }
0x40: {  	[smem:$0x748] =	sst s0;
	s0 =	sshra.s32 s12, $0x1F  }
0x41: {  	[smem:$0x747] =	sst s11;
	s0 =	smul.u32 $0x51EB851F, s0  }
0x42: {  	(v2sf) =	vpush v2, $0x1;
	s9 =	smulhi.u32 $0x51EB851F, s12;
	s11 =	spop (v2sf)  }
0x43: {  	[smem:$0x74A] =	sst s0;
	s0 =	sshra.s32 s11, $0x1F  }
0x44: {  	(v2sf) =	vpush v2, $0x2;
	[smem:$0x749] =	sst s9;
	s0 =	smul.u32 $0x51EB851F, s0  }
0x45: {  	s9 =	spop (v2sf);
	s12 =	smulhi.u32 $0x51EB851F, s11  }
0x46: {  	s11 =	smulhi.u32 $0x51EB851F, s9;
	[smem:$0x74C] =	sst s0;
	s0 =	sshra.s32 s9, $0x1F  }
0x47: {  	(v2sf) =	vpush v2, $0x3;
	[smem:$0x74B] =	sst s12;
	s0 =	smul.u32 $0x51EB851F, s0  }
0x48: {  	s12 =	spop (v2sf);
	[smem:$0x74D] =	sst s11  }
0x49: {  	s9 =	smulhi.u32 $0x51EB851F, s12;
	[smem:$0x74E] =	sst s0;
	s0 =	sshra.s32 s12, $0x1F  }
0x4a: {  	s11 =	spop (v2sf);
	s0 =	smul.u32 $0x51EB851F, s0  }
0x4b: {  	(v2sf) =	vpush v2, $0x4;
	[smem:$0x74F] =	sst s9;
	s12 =	smulhi.u32 $0x51EB851F, s11  }
0x4c: {  	s9 =	spop (v2sf);
	[smem:$0x750] =	sst s0;
	s0 =	sshra.s32 s11, $0x1F  }
0x4d: {  	[smem:$0x751] =	sst s12;
	s0 =	smul.u32 $0x51EB851F, s0  }
0x4e: {  	s12 =	spop (v2sf);
	s11 =	smulhi.u32 $0x51EB851F, s9  }
0x4f: {  	(v2sf) =	vpush v2, $0x5;
	[smem:$0x752] =	sst s0;
	s0 =	sshra.s32 s9, $0x1F;
	s9 =	smulhi.u32 $0x51EB851F, s12  }
0x50: {  	[smem:$0x753] =	sst s11;
	s0 =	smul.u32 $0x51EB851F, s0  }
0x51: {  	s11 =	spop (v2sf);
	[smem:$0x755] =	sst s9  }
0x52: {  	s9 =	smulhi.u32 $0x51EB851F, s11;
	[smem:$0x754] =	sst s0;
	s0 =	sshra.s32 s12, $0x1F  }
0x53: {  	(v2sf) =	vpush v2, $0x6;
	s12 =	spop (v2sf);
	s8 =	smul.u32 $0x51EB851F, s0  }
0x54: {  	s0 =	sshra.s32 s11, $0x1F;
	s11 =	smulhi.u32 $0x51EB851F, s12  }
0x55: {  	[smem:$0x756] =	sst s9;
	s9 =	smul.u32 $0x51EB851F, s0  }
0x56: {  	v4 =	vld [tilespmem:$0x20];
	[smem:$0x757] =	sst s11;
	s11 =	spop (v2sf)  }
0x57: {  	(v2sf) =	vpush v2, $0x7;
	s0 =	sshra.s32 s12, $0x1F;
	s12 =	smulhi.u32 $0x51EB851F, s11;
	s11 =	sshra.s32 s11, $0x1F  }
0x58: {  	s11 =	smul.u32 $0x51EB851F, s11;
	_ =	sdelay $0x1  }
0x59: {  	[smem:$0x759] =	sst s11;
	s11 =	spop (v2sf)  }
0x5a: {  	(v2sf) =	vpush v4, $0xD;
	[smem:$0x758] =	sst s12;
	s12 =	smulhi.u32 $0x51EB851F, s11;
	s11 =	sshra.s32 s11, $0x1F  }
0x5b: {  	s11 =	smul.u32 $0x51EB851F, s11;
	_ =	sdelay $0x1  }
0x5c: {  	[smem:$0x75B] =	sst s11;
	s11 =	spop (v2sf)  }
0x5d: {  	(v2sf) =	vpush v4, $0xC;
	[smem:$0x75A] =	sst s12;
	s12 =	smulhi.u32 $0x51EB851F, s11;
	s11 =	sshra.s32 s11, $0x1F  }
0x5e: {  	s11 =	smul.u32 $0x51EB851F, s11;
	_ =	sdelay $0x1  }
0x5f: {  	[smem:$0x75D] =	sst s11;
	s11 =	spop (v2sf)  }
0x60: {  	(v2sf) =	vpush v4, $0xE;
	[smem:$0x75C] =	sst s12;
	s12 =	smulhi.u32 $0x51EB851F, s11;
	s11 =	sshra.s32 s11, $0x1F  }
0x61: {  	s11 =	smul.u32 $0x51EB851F, s11;
	_ =	sdelay $0x1  }
0x62: {  	[smem:$0x75F] =	sst s11;
	s11 =	spop (v2sf)  }
0x63: {  	(v2sf) =	vpush v4, $0xF;
	[smem:$0x75E] =	sst s12;
	s12 =	smulhi.u32 $0x51EB851F, s11;
	s11 =	sshra.s32 s11, $0x1F  }
0x64: {  	s11 =	smul.u32 $0x51EB851F, s11;
	_ =	sdelay $0x1  }
0x65: {  	[smem:$0x761] =	sst s11;
	s11 =	spop (v2sf)  }
0x66: {  	(v2sf) =	vpush v4, $0x9;
	[smem:$0x760] =	sst s12;
	s12 =	smulhi.u32 $0x51EB851F, s11;
	s11 =	sshra.s32 s11, $0x1F  }
0x67: {  	s11 =	smul.u32 $0x51EB851F, s11;
	_ =	sdelay $0x1  }
0x68: {  	[smem:$0x763] =	sst s11;
	s11 =	spop (v2sf)  }
0x69: {  	(v2sf) =	vpush v4, $0x8;
	[smem:$0x762] =	sst s12;
	s12 =	smulhi.u32 $0x51EB851F, s11;
	s11 =	sshra.s32 s11, $0x1F  }
0x6a: {  	s11 =	smul.u32 $0x51EB851F, s11;
	_ =	sdelay $0x1  }
0x6b: {  	[smem:$0x765] =	sst s11;
	s11 =	spop (v2sf)  }
0x6c: {  	(v2sf) =	vpush v4, $0xA;
	[smem:$0x764] =	sst s12;
	s12 =	smulhi.u32 $0x51EB851F, s11;
	s11 =	sshra.s32 s11, $0x1F  }
0x6d: {  	s11 =	smul.u32 $0x51EB851F, s11;
	_ =	sdelay $0x1  }
0x6e: {  	[smem:$0x767] =	sst s11;
	s11 =	spop (v2sf)  }
0x6f: {  	(v2sf) =	vpush v4, $0xB;
	[smem:$0x766] =	sst s12;
	s12 =	smulhi.u32 $0x51EB851F, s11;
	s11 =	sshra.s32 s11, $0x1F  }
0x70: {  	s11 =	smul.u32 $0x51EB851F, s11;
	_ =	sdelay $0x1  }
0x71: {  	[smem:$0x769] =	sst s11;
	s11 =	spop (v2sf)  }
0x72: {  	(v2sf) =	vpush v4, $0x0;
	[smem:$0x768] =	sst s12;
	s12 =	smulhi.u32 $0x51EB851F, s11;
	s11 =	sshra.s32 s11, $0x1F  }
0x73: {  	s11 =	smul.u32 $0x51EB851F, s11;
	_ =	sdelay $0x1  }
0x74: {  	[smem:$0x76B] =	sst s11;
	s11 =	spop (v2sf)  }
0x75: {  	(v2sf) =	vpush v4, $0x1;
	[smem:$0x76A] =	sst s12;
	s12 =	smulhi.u32 $0x51EB851F, s11;
	s11 =	sshra.s32 s11, $0x1F  }
0x76: {  	s11 =	smul.u32 $0x51EB851F, s11;
	_ =	sdelay $0x1  }
0x77: {  	[smem:$0x76D] =	sst s11;
	s11 =	spop (v2sf)  }
0x78: {  	(v2sf) =	vpush v4, $0x2;
	[smem:$0x76C] =	sst s12;
	s12 =	smulhi.u32 $0x51EB851F, s11;
	s11 =	sshra.s32 s11, $0x1F  }
0x79: {  	s11 =	smul.u32 $0x51EB851F, s11;
	_ =	sdelay $0x1  }
0x7a: {  	[smem:$0x76F] =	sst s11;
	s11 =	spop (v2sf)  }
0x7b: {  	(v2sf) =	vpush v4, $0x3;
	[smem:$0x76E] =	sst s12;
	s12 =	smulhi.u32 $0x51EB851F, s11;
	s11 =	sshra.s32 s11, $0x1F  }
0x7c: {  	s11 =	smul.u32 $0x51EB851F, s11;
	_ =	sdelay $0x1  }
0x7d: {  	[smem:$0x771] =	sst s11;
	s11 =	spop (v2sf)  }
0x7e: {  	(v2sf) =	vpush v4, $0x4;
	[smem:$0x770] =	sst s12;
	s12 =	smulhi.u32 $0x51EB851F, s11;
	s11 =	sshra.s32 s11, $0x1F  }
0x7f: {  	s11 =	smul.u32 $0x51EB851F, s11;
	_ =	sdelay $0x1  }
0x80: {  	[smem:$0x773] =	sst s11;
	s11 =	spop (v2sf)  }
0x81: {  	(v2sf) =	vpush v4, $0x5;
	[smem:$0x772] =	sst s12;
	s12 =	smulhi.u32 $0x51EB851F, s11;
	s11 =	sshra.s32 s11, $0x1F  }
0x82: {  	s11 =	smul.u32 $0x51EB851F, s11;
	_ =	sdelay $0x1  }
0x83: {  	[smem:$0x775] =	sst s11;
	s11 =	spop (v2sf)  }
0x84: {  	(v2sf) =	vpush v4, $0x6;
	[smem:$0x774] =	sst s12;
	s12 =	smulhi.u32 $0x51EB851F, s11;
	s11 =	sshra.s32 s11, $0x1F  }
0x85: {  	s11 =	smul.u32 $0x51EB851F, s11;
	_ =	sdelay $0x1  }
0x86: {  	v6 =	vld [tilespmem:$0x30];
	[smem:$0x777] =	sst s11;
	s11 =	spop (v2sf)  }
0x87: {  	(v2sf) =	vpush v4, $0x7;
	[smem:$0x776] =	sst s12;
	s12 =	smulhi.u32 $0x51EB851F, s11;
	s11 =	sshra.s32 s11, $0x1F  }
0x88: {  	s11 =	smul.u32 $0x51EB851F, s11;
	_ =	sdelay $0x1  }
0x89: {  	[smem:$0x779] =	sst s11;
	s11 =	spop (v2sf)  }
0x8a: {  	(v2sf) =	vpush v6, $0xD;
	[smem:$0x778] =	sst s12;
	s12 =	smulhi.u32 $0x51EB851F, s11;
	s11 =	sshra.s32 s11, $0x1F  }
0x8b: {  	s11 =	smul.u32 $0x51EB851F, s11;
	_ =	sdelay $0x1  }
0x8c: {  	[smem:$0x77B] =	sst s11;
	s11 =	spop (v2sf)  }
0x8d: {  	(v2sf) =	vpush v6, $0xC;
	[smem:$0x77A] =	sst s12;
	s12 =	smulhi.u32 $0x51EB851F, s11;
	s11 =	sshra.s32 s11, $0x1F  }
0x8e: {  	s11 =	smul.u32 $0x51EB851F, s11;
	_ =	sdelay $0x1  }
0x8f: {  	[smem:$0x77D] =	sst s11;
	s11 =	spop (v2sf)  }
0x90: {  	(v2sf) =	vpush v6, $0xE;
	[smem:$0x77C] =	sst s12;
	s12 =	smulhi.u32 $0x51EB851F, s11;
	s11 =	sshra.s32 s11, $0x1F  }
0x91: {  	s11 =	smul.u32 $0x51EB851F, s11;
	_ =	sdelay $0x1  }
0x92: {  	[smem:$0x77F] =	sst s11;
	s11 =	spop (v2sf)  }
0x93: {  	(v2sf) =	vpush v6, $0xF;
	[smem:$0x77E] =	sst s12;
	s12 =	smulhi.u32 $0x51EB851F, s11;
	s11 =	sshra.s32 s11, $0x1F  }
0x94: {  	s11 =	smul.u32 $0x51EB851F, s11;
	_ =	sdelay $0x1  }
0x95: {  	[smem:$0x781] =	sst s11;
	s11 =	spop (v2sf)  }
0x96: {  	(v2sf) =	vpush v6, $0x9;
	[smem:$0x780] =	sst s12;
	s12 =	smulhi.u32 $0x51EB851F, s11;
	s11 =	sshra.s32 s11, $0x1F  }
0x97: {  	s11 =	smul.u32 $0x51EB851F, s11;
	_ =	sdelay $0x1  }
0x98: {  	[smem:$0x783] =	sst s11;
	s11 =	spop (v2sf)  }
0x99: {  	(v2sf) =	vpush v6, $0x8;
	[smem:$0x782] =	sst s12;
	s12 =	smulhi.u32 $0x51EB851F, s11;
	s11 =	sshra.s32 s11, $0x1F  }
0x9a: {  	s11 =	smul.u32 $0x51EB851F, s11;
	_ =	sdelay $0x1  }
0x9b: {  	[smem:$0x785] =	sst s11;
	s11 =	spop (v2sf)  }
0x9c: {  	(v2sf) =	vpush v6, $0xA;
	[smem:$0x784] =	sst s12;
	s12 =	smulhi.u32 $0x51EB851F, s11;
	s11 =	sshra.s32 s11, $0x1F  }
0x9d: {  	s11 =	smul.u32 $0x51EB851F, s11;
	_ =	sdelay $0x1  }
0x9e: {  	[smem:$0x787] =	sst s11;
	s11 =	spop (v2sf)  }
0x9f: {  	(v2sf) =	vpush v6, $0xB;
	[smem:$0x786] =	sst s12;
	s12 =	smulhi.u32 $0x51EB851F, s11;
	s11 =	sshra.s32 s11, $0x1F  }
0xa0: {  	s11 =	smul.u32 $0x51EB851F, s11;
	_ =	sdelay $0x1  }
0xa1: {  	[smem:$0x789] =	sst s11;
	s11 =	spop (v2sf)  }
0xa2: {  	(v2sf) =	vpush v6, $0x0;
	[smem:$0x788] =	sst s12;
	s12 =	smulhi.u32 $0x51EB851F, s11;
	s11 =	sshra.s32 s11, $0x1F  }
0xa3: {  	s11 =	smul.u32 $0x51EB851F, s11;
	_ =	sdelay $0x1  }
0xa4: {  	[smem:$0x78B] =	sst s11;
	s11 =	spop (v2sf)  }
0xa5: {  	[smem:$0x78A] =	sst s12;
	s12 =	smulhi.u32 $0x51EB851F, s11;
	s11 =	sshra.s32 s11, $0x1F  }
0xa6: {  	s11 =	smul.u32 $0x51EB851F, s11;
	_ =	sdelay $0x1  }
0xa7: {  	[smem:$0x78D] =	sst s11;
	s11 =	spop (v2sf)  }
0xa8: {  	[smem:$0x78C] =	sst s12;
	s12 =	smulhi.u32 $0x51EB851F, s11;
	s11 =	sshra.s32 s11, $0x1F  }
0xa9: {  	(v2sf) =	vpush v6, $0x1;
	s11 =	smul.u32 $0x51EB851F, s11;
	_ =	sdelay $0x1  }
0xaa: {  	[smem:$0x78F] =	sst s11;
	s11 =	spop (v2sf)  }
0xab: {  	[smem:$0x78E] =	sst s12;
	s12 =	smulhi.u32 $0x51EB851F, s11;
	s11 =	sshra.s32 s11, $0x1F  }
0xac: {  	s11 =	smul.u32 $0x51EB851F, s11;
	_ =	sdelay $0x1  }
0xad: {  	[smem:$0x791] =	sst s11;
	s11 =	spop (v2sf)  }
0xae: {  	[smem:$0x790] =	sst s12;
	s12 =	smulhi.u32 $0x51EB851F, s11  }
0xaf: {  	(v2sf) =	vpush v6, $0x2  }
0xb0: {  	v5 =	vld [tilespmem:$0x40];
	(v2sf) =	vpush v6, $0x3;
	[smem:$0x792] =	sst s12  }
0xb1: {  	(v2sf) =	vpush v6, $0x4;
	s12 =	sld [smem:$0x73F]  }
0xb2: {  	(v2sf) =	vpush v6, $0x5  }
0xb3: {  	(v2sf) =	vpush v6, $0x6  }
0xb4: {  	(v2sf) =	vpush v6, $0x7;
	s11 =	sshra.s32 s11, $0x1F;
	s12 =	sadd.s32 s14, s12  }
0xb5: {  	s13 =	sadd.s32 s16, s13;
	(v2sf) =	vpush v5, $0xD;
	s14 =	smul.u32 $0x51EB851F, s11;
	[smem:$0x7B9] =	sst s12  }
0xb6: {  	s16 =	sadd.s32 s18, s15;
	s11 =	spop (v2sf);
	[smem:$0x7B7] =	sst s13  }
0xb7: {  	s18 =	sadd.s32 s20, s17;
	[smem:$0x7BA] =	sst s16  }
0xb8: {  	s19 =	sadd.s32 s22, s19;
	[smem:$0x7BC] =	sst s18  }
0xb9: {  	s22 =	sadd.s32 s24, s21;
	[smem:$0x7BF] =	sst s19  }
0xba: {  	s23 =	sadd.s32 s26, s23;
	[smem:$0x7BD] =	sst s22  }
0xbb: {  	s26 =	sadd.s32 s29, s25;
	[smem:$0x7C0] =	sst s23  }
0xbc: {  	s10 =	sadd.s32 s10, s28;
	[smem:$0x7C2] =	sst s26  }
0xbd: {  	s1 =	sadd.s32 s1, s30;
	[smem:$0x7B8] =	sst s10  }
0xbe: {  	s3 =	sadd.s32 s3, s31;
	[smem:$0x7BB] =	sst s1  }
0xbf: {  	[smem:$0x7BE] =	sst s3  }
0xc0: {  	s22 =	sld [smem:$0x741]  }
0xc1: {  	s13 =	smulhi.u32 $0x51EB851F, s11;
	s11 =	sshra.s32 s11, $0x1F;
	s25 =	sld [smem:$0x743]  }
0xc2: {  	s16 =	smul.u32 $0x51EB851F, s11;
	s11 =	spop (v2sf)  }
0xc3: {  	s28 =	sld [smem:$0x744];
	s15 =	smulhi.u32 $0x51EB851F, s11;
	s11 =	sshra.s32 s11, $0x1F  }
0xc4: {  	s20 =	spop (v2sf);
	s18 =	smul.u32 $0x51EB851F, s11  }
0xc5: {  	s17 =	smulhi.u32 $0x51EB851F, s20;
	s11 =	sshra.s32 s20, $0x1F;
	s24 =	spop (v2sf)  }
0xc6: {  	s20 =	sld [smem:$0x740];
	s2 =	sadd.s32 s2, s25;
	s19 =	smul.u32 $0x51EB851F, s11  }
0xc7: {  	s12 =	smulhi.u32 $0x51EB851F, s24;
	s11 =	sshra.s32 s24, $0x1F;
	s24 =	sld [smem:$0x742]  }
0xc8: {  	[smem:$0x7C5] =	sst s2  }
0xc9: {  	s16 =	sadd.s32 s16, s13;
	s2 =	sadd.s32 s5, s28;
	s28 =	sld [smem:$0x74C]  }
0xca: {  	s29 =	spop (v2sf);
	[smem:$0x7EC] =	sst s16  }
0xcb: {  	s21 =	smulhi.u32 $0x51EB851F, s29;
	[smem:$0x7B6] =	sst s2  }
0xcc: {  	s30 =	sshra.s32 s29, $0x1F;
	s31 =	spop (v2sf);
	s29 =	sld [smem:$0x745]  }
0xcd: {  	s10 =	smul.u32 $0x51EB851F, s30;
	s30 =	sld [smem:$0x746]  }
0xce: {  	s18 =	sadd.s32 s18, s15;
	s3 =	sadd.s32 s4, s20;
	s20 =	sld [smem:$0x748]  }
0xcf: {  	s1 =	sshra.s32 s31, $0x1F;
	[smem:$0x7EE] =	sst s18  }
0xd0: {  	(v2sf) =	vpush v5, $0xC;
	s23 =	spop (v2sf);
	[smem:$0x7C1] =	sst s3;
	s3 =	sadd.s32 s7, s22  }
0xd1: {  	s7 =	smul.u32 $0x51EB851F, s1;
	s1 =	sshra.s32 s23, $0x1F;
	[smem:$0x7C3] =	sst s3  }
0xd2: {  	(v2sf) =	vpush v5, $0xE;
	s3 =	sadd.s32 s6, s24;
	s6 =	smulhi.u32 $0x51EB851F, s23;
	s23 =	sld [smem:$0x749]  }
0xd3: {  	s24 =	sld [smem:$0x74A]  }
0xd4: {  	[smem:$0x7C4] =	sst s3  }
0xd5: {  	s1 =	smul.u32 $0x51EB851F, s1;
	s3 =	sld [smem:$0x747]  }
0xd6: {  	s26 =	spop (v2sf);
	s2 =	sadd.s32 s30, s29;
	s30 =	sld [smem:$0x74D]  }
0xd7: {  	[smem:$0x793] =	sst s1;
	s1 =	sshra.s32 s26, $0x1F  }
0xd8: {  	[smem:$0x7C8] =	sst s2;
	s1 =	smul.u32 $0x51EB851F, s1  }
0xd9: {  	s5 =	smulhi.u32 $0x51EB851F, s26;
	s26 =	sld [smem:$0x74B]  }
0xda: {  	(v2sf) =	vpush v5, $0xF;
	s2 =	sadd.s32 s20, s3;
	[smem:$0x794] =	sst s1  }
0xdb: {  	[smem:$0x7C9] =	sst s2  }
0xdc: {  	s2 =	sadd.s32 s24, s23;
	s23 =	sld [smem:$0x750]  }
0xdd: {  	[smem:$0x7CB] =	sst s2  }
0xde: {  	s4 =	smulhi.u32 $0x51EB851F, s31;
	s2 =	sadd.s32 s28, s26;
	s26 =	sld [smem:$0x752]  }
0xdf: {  	s13 =	sld [smem:$0x794];
	s31 =	spop (v2sf)  }
0xe0: {  	[smem:$0x7CD] =	sst s2;
	s22 =	smulhi.u32 $0x51EB851F, s31  }
0xe1: {  	s1 =	sshra.s32 s31, $0x1F;
	s25 =	spop (v2sf);
	s31 =	sld [smem:$0x74E]  }
0xe2: {  	s1 =	smul.u32 $0x51EB851F, s1;
	[smem:$0x795] =	sst s22  }
0xe3: {  	s29 =	smulhi.u32 $0x51EB851F, s25;
	s22 =	sld [smem:$0x74F]  }
0xe4: {  	[smem:$0x796] =	sst s1  }
0xe5: {  	[smem:$0x797] =	sst s29  }
0xe6: {  	s1 =	sshra.s32 s25, $0x1F;
	s25 =	sld [smem:$0x751]  }
0xe7: {  	s29 =	sld [smem:$0x753]  }
0xe8: {  	s2 =	sadd.s32 s31, s30;
	s30 =	sld [smem:$0x754]  }
0xe9: {  	(v2sf) =	vpush v5, $0x9;
	s20 =	spop (v2sf);
	s31 =	sld [smem:$0x755]  }
0xea: {  	s24 =	smulhi.u32 $0x51EB851F, s20;
	s15 =	sld [smem:$0x795]  }
0xeb: {  	(v2sf) =	vpush v5, $0x8;
	[smem:$0x7D0] =	sst s2  }
0xec: {  	(v2sf) =	vpush v5, $0xA;
	[smem:$0x799] =	sst s24  }
0xed: {  	s1 =	smul.u32 $0x51EB851F, s1;
	s2 =	sadd.s32 s23, s22;
	s22 =	sld [smem:$0x756]  }
0xee: {  	s23 =	sld [smem:$0x757]  }
0xef: {  	[smem:$0x798] =	sst s1  }
0xf0: {  	[smem:$0x7CE] =	sst s2  }
0xf1: {  	s2 =	sadd.s32 s26, s25;
	s26 =	sld [smem:$0x758]  }
0xf2: {  	[smem:$0x7D2] =	sst s2  }
0xf3: {  	s2 =	sadd.s32 s30, s29;
	s30 =	sld [smem:$0x75A]  }
0xf4: {  	s0 =	smul.u32 $0x51EB851F, s0;
	s1 =	sshra.s32 s20, $0x1F;
	[smem:$0x7D4] =	sst s2  }
0xf5: {  	s1 =	smul.u32 $0x51EB851F, s1;
	s2 =	sadd.s32 s8, s31;
	s31 =	sld [smem:$0x75B]  }
0xf6: {  	(v2sf) =	vpush v5, $0xB;
	s0 =	sadd.s32 s0, s23;
	s23 =	sld [smem:$0x75D]  }
0xf7: {  	[smem:$0x79A] =	sst s1  }
0xf8: {  	s28 =	spop (v2sf);
	[smem:$0x7C7] =	sst s2  }
0xf9: {  	(v2sf) =	vpush v5, $0x0;
	s3 =	smulhi.u32 $0x51EB851F, s28;
	[smem:$0x7CC] =	sst s0  }
0xfa: {  	s20 =	spop (v2sf);
	s1 =	sshra.s32 s28, $0x1F;
	s28 =	sld [smem:$0x759]  }
0xfb: {  	s25 =	spop (v2sf);
	s2 =	sadd.s32 s9, s22;
	s22 =	sld [smem:$0x75C]  }
0xfc: {  	s29 =	smulhi.u32 $0x51EB851F, s25;
	s0 =	sshra.s32 s25, $0x1F;
	s25 =	sld [smem:$0x75E]  }
0xfd: {  	[smem:$0x7CA] =	sst s2  }
0xfe: {  	[smem:$0x79C] =	sst s29  }
0xff: {  	s0 =	smul.u32 $0x51EB851F, s0;
	s29 =	sld [smem:$0x760]  }
0x100: {  	s8 =	smul.u32 $0x51EB851F, s1;
	s1 =	sshra.s32 s20, $0x1F;
	s2 =	sld [smem:$0x762]  }
0x101: {  	s24 =	smul.u32 $0x51EB851F, s1;
	[smem:$0x79D] =	sst s0  }
0x102: {  	(v2sf) =	vpush v5, $0x1;
	s1 =	sadd.s32 s28, s26;
	s26 =	sld [smem:$0x75F]  }
0x103: {  	[smem:$0x79B] =	sst s24  }
0x104: {  	s9 =	smulhi.u32 $0x51EB851F, s20;
	[smem:$0x7CF] =	sst s1  }
0x105: {  	s20 =	spop (v2sf);
	s1 =	sadd.s32 s31, s30;
	s30 =	sld [smem:$0x761]  }
0x106: {  	s0 =	sshra.s32 s20, $0x1F;
	s24 =	smulhi.u32 $0x51EB851F, s20;
	s20 =	sld [smem:$0x763]  }
0x107: {  	[smem:$0x7D1] =	sst s1  }
0x108: {  	s28 =	spop (v2sf);
	s1 =	sadd.s32 s23, s22;
	s23 =	sld [smem:$0x764]  }
0x109: {  	s0 =	smul.u32 $0x51EB851F, s0;
	[smem:$0x7D3] =	sst s1  }
0x10a: {  	(v2sf) =	vpush v5, $0x2;
	s31 =	smulhi.u32 $0x51EB851F, s28;
	[smem:$0x79E] =	sst s24  }
0x10b: {  	[smem:$0x79F] =	sst s0  }
0x10c: {  	[smem:$0x7A0] =	sst s31  }
0x10d: {  	s24 =	sld [smem:$0x765]  }
0x10e: {  	s1 =	sadd.s32 s26, s25;
	s26 =	sld [smem:$0x766]  }
0x10f: {  	s0 =	sshra.s32 s28, $0x1F;
	s28 =	sld [smem:$0x767]  }
0x110: {  	s31 =	sld [smem:$0x769]  }
0x111: {  	(v2sf) =	vpush v5, $0x3;
	s22 =	spop (v2sf);
	[smem:$0x7D5] =	sst s1  }
0x112: {  	s25 =	smulhi.u32 $0x51EB851F, s22;
	s1 =	sadd.s32 s30, s29;
	s30 =	sld [smem:$0x768]  }
0x113: {  	[smem:$0x7C6] =	sst s1  }
0x114: {  	[smem:$0x7A2] =	sst s25  }
0x115: {  	s25 =	sld [smem:$0x76C]  }
0x116: {  	s0 =	smul.u32 $0x51EB851F, s0;
	s1 =	sadd.s32 s20, s2;
	s2 =	sld [smem:$0x770]  }
0x117: {  	[smem:$0x7D6] =	sst s1  }
0x118: {  	(v2sf) =	vpush v5, $0x4;
	[smem:$0x7A1] =	sst s0  }
0x119: {  	s29 =	spop (v2sf);
	s0 =	sshra.s32 s22, $0x1F;
	s22 =	sld [smem:$0x76A]  }
0x11a: {  	s20 =	smulhi.u32 $0x51EB851F, s29;
	s1 =	sadd.s32 s24, s23;
	s23 =	sld [smem:$0x76B]  }
0x11b: {  	[smem:$0x7D7] =	sst s1  }
0x11c: {  	[smem:$0x7A4] =	sst s20  }
0x11d: {  	s1 =	sadd.s32 s28, s26;
	s26 =	sld [smem:$0x76D]  }
0x11e: {  	s20 =	sld [smem:$0x771]  }
0x11f: {  	s0 =	smul.u32 $0x51EB851F, s0;
	[smem:$0x7DA] =	sst s1  }
0x120: {  	(v2sf) =	vpush v5, $0x5;
	s24 =	spop (v2sf);
	s1 =	sadd.s32 s31, s30;
	s30 =	sld [smem:$0x76F]  }
0x121: {  	s28 =	smulhi.u32 $0x51EB851F, s24;
	[smem:$0x7A3] =	sst s0  }
0x122: {  	[smem:$0x7DB] =	sst s1  }
0x123: {  	[smem:$0x7A6] =	sst s28  }
0x124: {  	s0 =	sshra.s32 s29, $0x1F;
	s29 =	sld [smem:$0x76E]  }
0x125: {  	s1 =	sadd.s32 s23, s22;
	s23 =	sld [smem:$0x772]  }
0x126: {  	s28 =	sld [smem:$0x775]  }
0x127: {  	s31 =	spop (v2sf);
	[smem:$0x7E0] =	sst s1  }
0x128: {  	(v2sf) =	vpush v5, $0x6;
	s22 =	smulhi.u32 $0x51EB851F, s31;
	s1 =	sadd.s32 s26, s25;
	s26 =	sld [smem:$0x774]  }
0x129: {  	[smem:$0x7DE] =	sst s1  }
0x12a: {  	s0 =	smul.u32 $0x51EB851F, s0;
	[smem:$0x7A8] =	sst s22  }
0x12b: {  	s22 =	sld [smem:$0x778]  }
0x12c: {  	[smem:$0x7A5] =	sst s0  }
0x12d: {  	s0 =	sshra.s32 s24, $0x1F;
	s24 =	sld [smem:$0x773]  }
0x12e: {  	s1 =	sadd.s32 s30, s29;
	s30 =	sld [smem:$0x776]  }
0x12f: {  	s25 =	spop (v2sf);
	[smem:$0x7E2] =	sst s1  }
0x130: {  	(v2sf) =	vpush v5, $0x7;
	s29 =	smulhi.u32 $0x51EB851F, s25;
	s1 =	sadd.s32 s20, s2;
	s2 =	sld [smem:$0x77E]  }
0x131: {  	[smem:$0x7E4] =	sst s1  }
0x132: {  	s0 =	smul.u32 $0x51EB851F, s0;
	[smem:$0x7AA] =	sst s29  }
0x133: {  	v7 =	vld [tilespmem:$0x50];
	s29 =	sld [smem:$0x77C]  }
0x134: {  	[smem:$0x7A7] =	sst s0  }
0x135: {  	s0 =	sshra.s32 s31, $0x1F;
	s31 =	sld [smem:$0x777]  }
0x136: {  	s1 =	sadd.s32 s24, s23;
	s23 =	sld [smem:$0x779]  }
0x137: {  	s20 =	spop (v2sf);
	[smem:$0x7D9] =	sst s1  }
0x138: {  	(v2sf) =	vpush v7, $0xD;
	s24 =	smulhi.u32 $0x51EB851F, s20;
	s1 =	sadd.s32 s28, s26;
	s26 =	sld [smem:$0x77B]  }
0x139: {  	[smem:$0x7DC] =	sst s1  }
0x13a: {  	s0 =	smul.u32 $0x51EB851F, s0;
	[smem:$0x7AC] =	sst s24  }
0x13b: {  	s24 =	sld [smem:$0x781]  }
0x13c: {  	[smem:$0x7A9] =	sst s0  }
0x13d: {  	s0 =	sshra.s32 s25, $0x1F;
	s25 =	sld [smem:$0x77A]  }
0x13e: {  	s1 =	sadd.s32 s31, s30;
	s30 =	sld [smem:$0x77D]  }
0x13f: {  	s28 =	spop (v2sf);
	[smem:$0x7DD] =	sst s1  }
0x140: {  	(v2sf) =	vpush v7, $0xC;
	s31 =	smulhi.u32 $0x51EB851F, s28;
	s1 =	sadd.s32 s23, s22;
	s23 =	sld [smem:$0x780]  }
0x141: {  	[smem:$0x7DF] =	sst s1  }
0x142: {  	s0 =	smul.u32 $0x51EB851F, s0;
	[smem:$0x7AE] =	sst s31  }
0x143: {  	s31 =	sld [smem:$0x785]  }
0x144: {  	[smem:$0x7AB] =	sst s0  }
0x145: {  	s0 =	sshra.s32 s20, $0x1F;
	s20 =	sld [smem:$0x77F]  }
0x146: {  	s1 =	sadd.s32 s26, s25;
	s26 =	sld [smem:$0x782]  }
0x147: {  	s22 =	spop (v2sf);
	[smem:$0x7E1] =	sst s1  }
0x148: {  	(v2sf) =	vpush v7, $0xE;
	s25 =	smulhi.u32 $0x51EB851F, s22;
	s1 =	sadd.s32 s30, s29;
	s30 =	sld [smem:$0x784]  }
0x149: {  	[smem:$0x7E3] =	sst s1  }
0x14a: {  	s0 =	smul.u32 $0x51EB851F, s0;
	[smem:$0x7B0] =	sst s25  }
0x14b: {  	s25 =	sld [smem:$0x789]  }
0x14c: {  	[smem:$0x7AD] =	sst s0  }
0x14d: {  	s0 =	sshra.s32 s28, $0x1F;
	s28 =	sld [smem:$0x783]  }
0x14e: {  	(v2sf) =	vpush v7, $0xF;
	s1 =	sadd.s32 s20, s2;
	s20 =	sld [smem:$0x786]  }
0x14f: {  	s29 =	spop (v2sf);
	[smem:$0x7E5] =	sst s1  }
0x150: {  	s2 =	smulhi.u32 $0x51EB851F, s29;
	s1 =	sadd.s32 s24, s23;
	s24 =	sld [smem:$0x788]  }
0x151: {  	[smem:$0x7D8] =	sst s1  }
0x152: {  	s0 =	smul.u32 $0x51EB851F, s0;
	[smem:$0x7B2] =	sst s2  }
0x153: {  	s2 =	sld [smem:$0x78C]  }
0x154: {  	[smem:$0x7AF] =	sst s0  }
0x155: {  	s0 =	sshra.s32 s22, $0x1F;
	s22 =	sld [smem:$0x787]  }
0x156: {  	s1 =	sadd.s32 s28, s26;
	s28 =	sld [smem:$0x78A]  }
0x157: {  	s23 =	spop (v2sf);
	[smem:$0x7E6] =	sst s1  }
0x158: {  	s26 =	smulhi.u32 $0x51EB851F, s23;
	s1 =	sadd.s32 s31, s30;
	s30 =	sld [smem:$0x78B]  }
0x159: {  	s0 =	smul.u32 $0x51EB851F, s0;
	[smem:$0x7E8] =	sst s1  }
0x15a: {  	[smem:$0x7B3] =	sst s26  }
0x15b: {  	[smem:$0x7B1] =	sst s0  }
0x15c: {  	s1 =	sadd.s32 s22, s20;
	s20 =	sld [smem:$0x78D]  }
0x15d: {  	(v2sf) =	vpush v7, $0x9;
	s31 =	spop (v2sf);
	s0 =	sshra.s32 s29, $0x1F;
	[smem:$0x7EA] =	sst s1  }
0x15e: {  	s29 =	smul.u32 $0x51EB851F, s0;
	s0 =	sshra.s32 s23, $0x1F;
	s23 =	sld [smem:$0x78E]  }
0x15f: {  	s22 =	smulhi.u32 $0x51EB851F, s31;
	s1 =	sadd.s32 s25, s24;
	s24 =	sld [smem:$0x78F]  }
0x160: {  	[smem:$0x7EB] =	sst s1  }
0x161: {  	[smem:$0x7B5] =	sst s22  }
0x162: {  	s1 =	sadd.s32 s30, s28;
	s30 =	sld [smem:$0x790]  }
0x163: {  	(v2sf) =	vpush v7, $0x8;
	s0 =	smul.u32 $0x51EB851F, s0;
	[smem:$0x7ED] =	sst s1  }
0x164: {  	s1 =	sadd.s32 s20, s2;
	s2 =	sld [smem:$0x792]  }
0x165: {  	(v2sf) =	vpush v7, $0xA;
	[smem:$0x7B4] =	sst s0  }
0x166: {  	[smem:$0x7EF] =	sst s1  }
0x167: {  	s0 =	sshra.s32 s31, $0x1F;
	s31 =	sld [smem:$0x791]  }
0x168: {  	(v2sf) =	vpush v7, $0xB;
	s1 =	sadd.s32 s24, s23;
	s23 =	sadd.s32 s19, s17;
	s17 =	sld [smem:$0x796]  }
0x169: {  	s11 =	smul.u32 $0x51EB851F, s11;
	[smem:$0x7F1] =	sst s1  }
0x16a: {  	(v2sf) =	vpush v7, $0x0;
	[smem:$0x7F0] =	sst s23  }
0x16b: {  	s1 =	sadd.s32 s31, s30;
	s30 =	sadd.s32 s11, s12;
	s12 =	sld [smem:$0x793]  }
0x16c: {  	s25 =	spop (v2sf);
	[dreg:$0x1d] =	wrdreg s1  }
0x16d: {  	(v2sf) =	vpush v7, $0x1;
	s28 =	smulhi.u32 $0x51EB851F, s25;
	[smem:$0x7F2] =	sst s30  }
0x16e: {  	s1 =	sadd.s32 s14, s2;
	s2 =	sadd.s32 s10, s21;
	s30 =	sld [smem:$0x797]  }
0x16f: {  	s10 =	sadd.s32 s7, s4;
	s7 =	sadd.s32 s8, s3;
	s3 =	sld [smem:$0x79E]  }
0x170: {  	(v2sf) =	vpush v7, $0x2;
	s26 =	smul.u32 $0x51EB851F, s0;
	s0 =	sshra.s32 s25, $0x1F;
	[smem:$0x7E9] =	sst s1  }
0x171: {  	s24 =	smul.u32 $0x51EB851F, s0;
	[smem:$0x7F3] =	sst s2  }
0x172: {  	s14 =	spop (v2sf);
	[smem:$0x7F4] =	sst s10  }
0x173: {  	s25 =	smulhi.u32 $0x51EB851F, s14;
	[dreg:$0x18] =	wrdreg s7  }
0x174: {  	(v2sf) =	vpush v7, $0x3;
	s0 =	sshra.s32 s14, $0x1F;
	s20 =	spop (v2sf);
	s10 =	sld [smem:$0x79B]  }
0x175: {  	s24 =	sadd.s32 s24, s28;
	s2 =	sld [smem:$0x7A4];
	s22 =	smul.u32 $0x51EB851F, s0  }
0x176: {  	[dreg:$0xf] =	wrdreg s24;
	s23 =	smulhi.u32 $0x51EB851F, s20;
	s0 =	sshra.s32 s20, $0x1F  }
0x177: {  	s31 =	spop (v2sf);
	s20 =	smul.u32 $0x51EB851F, s0  }
0x178: {  	(v2sf) =	vpush v7, $0x4;
	s1 =	sadd.s32 s12, s6;
	s6 =	sld [smem:$0x79A];
	s21 =	smulhi.u32 $0x51EB851F, s31  }
0x179: {  	s0 =	sshra.s32 s31, $0x1F;
	s11 =	spop (v2sf);
	[smem:$0x7E7] =	sst s1  }
0x17a: {  	s31 =	sld [smem:$0x798];
	s18 =	smul.u32 $0x51EB851F, s0  }
0x17b: {  	s1 =	sadd.s32 s13, s5;
	s5 =	sld [smem:$0x799];
	s19 =	smulhi.u32 $0x51EB851F, s11  }
0x17c: {  	s0 =	sshra.s32 s11, $0x1F;
	[dreg:$0x1e] =	wrdreg s1;
	s14 =	spop (v2sf)  }
0x17d: {  	s1 =	sadd.s32 s17, s15;
	s11 =	sld [smem:$0x79C];
	s16 =	smul.u32 $0x51EB851F, s0  }
0x17e: {  	s22 =	sadd.s32 s22, s25;
	[smem:$0x7F7] =	sst s1;
	s17 =	smulhi.u32 $0x51EB851F, s14  }
0x17f: {  	s0 =	sshra.s32 s14, $0x1F;
	s4 =	spop (v2sf);
	[dreg:$0xc] =	wrdreg s22  }
0x180: {  	s1 =	sadd.s32 s31, s30;
	s14 =	smul.u32 $0x51EB851F, s0;
	s30 =	sld [smem:$0x79D]  }
0x181: {  	(v2sf) =	vpush v7, $0x5;
	s15 =	smulhi.u32 $0x51EB851F, s4;
	s0 =	sshra.s32 s4, $0x1F;
	s4 =	sld [smem:$0x79F]  }
0x182: {  	[dreg:$0x1c] =	wrdreg s1  }
0x183: {  	s8 =	spop (v2sf);
	s1 =	sadd.s32 s6, s5;
	s5 =	sld [smem:$0x7A0]  }
0x184: {  	s12 =	smul.u32 $0x51EB851F, s0;
	s6 =	sld [smem:$0x7A1]  }
0x185: {  	(v2sf) =	vpush v7, $0x6;
	s0 =	sshra.s32 s8, $0x1F;
	[dreg:$0x1a] =	wrdreg s1;
	s1 =	sadd.s32 s10, s9  }
0x186: {  	(v2sf) =	vpush v7, $0x7;
	s10 =	smul.u32 $0x51EB851F, s0;
	[dreg:$0x1b] =	wrdreg s1  }
0x187: {  	s31 =	spop (v2sf);
	s1 =	sadd.s32 s30, s11;
	s30 =	sld [smem:$0x7A2]  }
0x188: {  	s11 =	smulhi.u32 $0x51EB851F, s31;
	s0 =	sshra.s32 s31, $0x1F;
	s31 =	sld [smem:$0x7A3]  }
0x189: {  	[dreg:$0x19] =	wrdreg s1  }
0x18a: {  	s1 =	sadd.s32 s4, s3;
	s3 =	sld [smem:$0x7A5]  }
0x18b: {  	[dreg:$0x17] =	wrdreg s1  }
0x18c: {  	s1 =	sadd.s32 s6, s5;
	s5 =	sld [smem:$0x7A6]  }
0x18d: {  	[smem:$0x7F5] =	sst s1  }
0x18e: {  	s13 =	smulhi.u32 $0x51EB851F, s8;
	s1 =	sadd.s32 s31, s30;
	s30 =	sld [smem:$0x7A8]  }
0x18f: {  	s8 =	smul.u32 $0x51EB851F, s0;
	s31 =	sld [smem:$0x7A9]  }
0x190: {  	[smem:$0x7F6] =	sst s1;
	s7 =	spop (v2sf)  }
0x191: {  	s9 =	smulhi.u32 $0x51EB851F, s7;
	s0 =	sshra.s32 s7, $0x1F;
	s7 =	sld [smem:$0x7A7]  }
0x192: {  	s1 =	sadd.s32 s3, s2;
	s2 =	sld [smem:$0x7AC]  }
0x193: {  	v8 =	vld [tilespmem:$0x60];
	[smem:$0x7F8] =	sst s1  }
0x194: {  	s4 =	spop (v2sf);
	s6 =	smul.u32 $0x51EB851F, s0;
	s1 =	sadd.s32 s7, s5  }
0x195: {  	s0 =	sshra.s32 s4, $0x1F;
	s3 =	spop (v2sf);
	[smem:$0x7FA] =	sst s1  }
0x196: {  	s7 =	smulhi.u32 $0x51EB851F, s4;
	s1 =	sadd.s32 s31, s30;
	s30 =	sld [smem:$0x7AA]  }
0x197: {  	s5 =	smul.u32 $0x51EB851F, s0;
	s31 =	sld [smem:$0x7AB]  }
0x198: {  	(v2sf) =	vpush v8, $0xD;
	s4 =	smulhi.u32 $0x51EB851F, s3;
	s0 =	sshra.s32 s3, $0x1F;
	s3 =	sld [smem:$0x7AD]  }
0x199: {  	[smem:$0x7FB] =	sst s1  }
0x19a: {  	s1 =	sadd.s32 s31, s30;
	s30 =	sld [smem:$0x7AE]  }
0x19b: {  	(v2sf) =	vpush v8, $0xC;
	s31 =	sld [smem:$0x7AF]  }
0x19c: {  	[smem:$0x7FC] =	sst s1;
	s1 =	sadd.s32 s3, s2  }
0x19d: {  	[dreg:$0x1f] =	wrdreg s1  }
0x19e: {  	(v2sf) =	vpush v8, $0xE;
	s1 =	sadd.s32 s31, s30;
	s30 =	sld [smem:$0x7B1]  }
0x19f: {  	[smem:$0x7F9] =	sst s1  }
0x1a0: {  	s20 =	sadd.s32 s20, s23;
	(v2sf) =	vpush v8, $0xF;
	s1 =	sld [smem:$0x7B0]  }
0x1a1: {  	[dreg:$0x9] =	wrdreg s20;
	s16 =	sadd.s32 s16, s19  }
0x1a2: {  	(v2sf) =	vpush v8, $0x9;
	[dreg:$0x15] =	wrdreg s16  }
0x1a3: {  	s14 =	sadd.s32 s14, s17;
	s1 =	sadd.s32 s30, s1;
	s30 =	sld [smem:$0x7B2]  }
0x1a4: {  	[dreg:$0x11] =	wrdreg s14;
	s12 =	sadd.s32 s12, s15;
	(v2sf) =	vpush v8, $0x8  }
0x1a5: {  	[dreg:$0xe] =	wrdreg s12  }
0x1a6: {  	(v2sf) =	vpush v8, $0xA;
	s3 =	smul.u32 $0x51EB851F, s0;
	s31 =	sadd.s32 s29, s30;
	s29 =	sld [smem:$0x7B3]  }
0x1a7: {  	s10 =	sadd.s32 s10, s13;
	s0 =	spop (v2sf);
	s30 =	sld [smem:$0x7B4]  }
0x1a8: {  	[dreg:$0xd] =	wrdreg s10;
	(v2sf) =	vpush v8, $0xB;
	s2 =	smulhi.u32 $0x51EB851F, s0;
	s0 =	sshra.s32 s0, $0x1F  }
0x1a9: {  	s8 =	sadd.s32 s8, s11;
	[dreg:$0x13] =	wrdreg s1;
	s1 =	smul.u32 $0x51EB851F, s0  }
0x1aa: {  	(v2sf) =	vpush v8, $0x0;
	s0 =	spop (v2sf);
	s29 =	sadd.s32 s30, s29;
	s30 =	sld [smem:$0x7B5]  }
0x1ab: {  	(v2sf) =	vpush v8, $0x1;
	[dreg:$0x12] =	wrdreg s31;
	s31 =	smulhi.u32 $0x51EB851F, s0;
	s0 =	sshra.s32 s0, $0x1F  }
0x1ac: {  	[dreg:$0xb] =	wrdreg s8;
	s0 =	smul.u32 $0x51EB851F, s0  }
0x1ad: {  	[dreg:$0x14] =	wrdreg s29;
	s29 =	spop (v2sf);
	(v2sf) =	vpush v8, $0x2;
	s26 =	sadd.s32 s26, s30  }
0x1ae: {  	[dreg:$0x10] =	wrdreg s26;
	s26 =	smulhi.u32 $0x51EB851F, s29;
	s29 =	sshra.s32 s29, $0x1F  }
0x1af: {  	s6 =	sadd.s32 s6, s9;
	s24 =	smul.u32 $0x51EB851F, s29;
	s29 =	spop (v2sf)  }
0x1b0: {  	[dreg:$0xa] =	wrdreg s6;
	s22 =	smulhi.u32 $0x51EB851F, s29;
	s30 =	sshra.s32 s29, $0x1F  }
0x1b1: {  	(v2sf) =	vpush v8, $0x3;
	s25 =	spop (v2sf);
	s20 =	smul.u32 $0x51EB851F, s30  }
0x1b2: {  	s30 =	sadd.s32 s18, s21;
	s18 =	smulhi.u32 $0x51EB851F, s25;
	s28 =	sshra.s32 s25, $0x1F  }
0x1b3: {  	s5 =	sadd.s32 s5, s7;
	(v2sf) =	vpush v8, $0x4;
	s29 =	spop (v2sf);
	s16 =	smul.u32 $0x51EB851F, s28  }
0x1b4: {  	s7 =	sld [smem:$0x7B9];
	s14 =	smulhi.u32 $0x51EB851F, s29;
	s21 =	sshra.s32 s29, $0x1F  }
0x1b5: {  	s23 =	spop (v2sf);
	s12 =	smul.u32 $0x51EB851F, s21  }
0x1b6: {  	[dreg:$0x8] =	wrdreg s5;
	s10 =	smulhi.u32 $0x51EB851F, s23;
	s25 =	sshra.s32 s23, $0x1F  }
0x1b7: {  	s3 =	sadd.s32 s3, s4;
	s28 =	spop (v2sf);
	s8 =	smul.u32 $0x51EB851F, s25  }
0x1b8: {  	[smem:$0x7FD] =	sst s3;
	s6 =	smulhi.u32 $0x51EB851F, s28;
	s29 =	sshra.s32 s28, $0x1F  }
0x1b9: {  	s9 =	spop (v2sf);
	s5 =	smul.u32 $0x51EB851F, s29  }
0x1ba: {  	s24 =	sadd.s32 s24, s26;
	s11 =	smulhi.u32 $0x51EB851F, s9;
	s17 =	spop (v2sf)  }
0x1bb: {  	s25 =	sadd.s32 s1, s2;
	s19 =	smulhi.u32 $0x51EB851F, s17;
	s2 =	sshra.s32 s17, $0x1F  }
0x1bc: {  	s22 =	sadd.s32 s20, s22;
	s2 =	smul.u32 $0x51EB851F, s2;
	s21 =	spop (v2sf)  }
0x1bd: {  	s28 =	sadd.s32 s0, s31;
	s23 =	smulhi.u32 $0x51EB851F, s21;
	s4 =	sshra.s32 s21, $0x1F  }
0x1be: {  	s26 =	sadd.s32 s16, s18;
	s13 =	sshra.s32 s9, $0x1F;
	s4 =	smul.u32 $0x51EB851F, s4  }
0x1bf: {  	[dreg:$0x16] =	wrdreg s26;
	s26 =	sadd.s32 s12, s14;
	s15 =	smul.u32 $0x51EB851F, s13  }
0x1c0: {  	s17 =	sadd.s32 s2, s19;
	s29 =	spop (v2sf);
	s19 =	sadd.s32 s4, s23  }
0x1c1: {  	s4 =	sld [smem:$0x7B7];
	s31 =	smulhi.u32 $0x51EB851F, s29;
	s9 =	sshra.s32 s29, $0x1F  }
0x1c2: {  	s18 =	sadd.s32 s8, s10;
	s12 =	spop (v2sf);
	s10 =	smul.u32 $0x51EB851F, s9  }
0x1c3: {  	s13 =	smulhi.u32 $0x51EB851F, s12;
	s14 =	sshra.s32 s12, $0x1F;
	s12 =	sld [smem:$0x7B6]  }
0x1c4: {  	s8 =	sshrl.u32 s7, $0x1F;
	s21 =	sadd.s32 s10, s31;
	s31 =	sld [smem:$0x7B8]  }
0x1c5: {  	s20 =	sadd.s32 s5, s6;
	s29 =	sadd.s32 s15, s11;
	s10 =	sld [smem:$0x7BA]  }
0x1c6: {  	s11 =	sld [smem:$0x7BB];
	s15 =	smul.u32 $0x51EB851F, s14;
	s23 =	sshrl.u32 s4, $0x1F  }
0x1c7: {  	v10 =	vmov s23;
	s16 =	sshra.s32 s12, $0x1F;
	s3 =	sshra.s32 s31, $0xD;
	s5 =	sshrl.u32 s31, $0x1F  }
0x1c8: {  	v10 =	vsel vm0, s8, v10;
	v9 =	vmov s16;
	s6 =	sshra.s32 s31, $0x1F;
	s9 =	sshrl.u32 s10, $0x1F;
	s31 =	sld [smem:$0x7BE]  }
0x1c9: {  	s0 =	sadd.s32 s15, s13;
	v9 =	vsel vm3, s3, v9;
	v10 =	vsel vm1, s9, v10;
	s9 =	sld [smem:$0x7BC]  }
0x1ca: {  	s1 =	sshra.s32 s7, $0xD;
	s13 =	sshra.s32 s11, $0xD;
	[dreg:$0x7] =	wrdreg s0;
	v9 =	vsel vm9, s6, v9  }
0x1cb: {  	s15 =	sshra.s32 s11, $0x1F;
	s0 =	sshra.s32 s10, $0xD;
	s10 =	sld [smem:$0x7C4];
	v12 =	vsel vm0, s13, v9  }
0x1cc: {  	v11 =	vmov s5;
	s5 =	sld [smem:$0x7BD];
	s7 =	sshra.s32 s31, $0xD;
	s16 =	sshrl.u32 s9, $0x1F;
	v51 =	vsel vm10, s15, v12  }
0x1cd: {  	s14 =	sshrl.u32 s11, $0x1F;
	v11 =	vnsel vm3, $0x0, v11;
	v9 =	vsel vm2, s16, v10;
	v10 =	vsel vm1, s7, v51;
	s7 =	sld [smem:$0x7BF]  }
0x1ce: {  	s6 =	sld [smem:$0x7C2];
	v11 =	vsel vm0, s14, v11;
	s8 =	sshrl.u32 s31, $0x1F  }
0x1cf: {  	s23 =	sshrl.u32 s5, $0x1F;
	v11 =	vsel vm1, s8, v11;
	s8 =	sld [smem:$0x7C0]  }
0x1d0: {  	s15 =	sld [smem:$0x7C1];
	v52 =	vmov s23;
	s13 =	sshrl.u32 s7, $0x1F  }
0x1d1: {  	s2 =	sshra.s32 s4, $0xD;
	v12 =	vsel vm0, s13, v52;
	s13 =	sld [smem:$0x7C3]  }
0x1d2: {  	v54 =	vmov s2;
	s11 =	sshra.s32 s31, $0x1F;
	s2 =	sshra.s32 s9, $0xD;
	s9 =	sld [smem:$0x7C5]  }
0x1d3: {  	v10 =	vsel vm11, s11, v10;
	s14 =	sshrl.u32 s8, $0x1F;
	s16 =	sshrl.u32 s15, $0x1F;
	s23 =	sshra.s32 s15, $0xD  }
0x1d4: {  	s31 =	sshra.s32 s15, $0x1F;
	v11 =	vsel vm2, s16, v11;
	v13 =	vsel vm2, s23, v10;
	v12 =	vsel vm1, s14, v12;
	s14 =	sshrl.u32 s13, $0x1F  }
0x1d5: {  	s11 =	sshrl.u32 s6, $0x1F;
	s15 =	sshrl.u32 s10, $0x1F;
	v53 =	vsel vm12, s31, v13;
	s31 =	sshrl.u32 s9, $0x1F;
	v11 =	vsel vm4, s14, v11  }
0x1d6: {  	v10 =	vsel vm2, s11, v12;
	s11 =	sshra.s32 s7, $0xD;
	s7 =	sshra.s32 s12, $0xD;
	s16 =	sshra.s32 s13, $0xD;
	v11 =	vsel vm5, s15, v11  }
0x1d7: {  	s23 =	sshra.s32 s13, $0x1F;
	s13 =	sshrl.u32 s12, $0x1F;
	s12 =	sld [smem:$0x7C8];
	v11 =	vsel vm6, s31, v11  }
0x1d8: {  	v11 =	vsel vm7, s13, v11;
	s13 =	sld [smem:$0x7C6]  }
0x1d9: {  	s4 =	sshra.s32 s9, $0xD;
	v12 =	vsel vm4, s16, v53;
	s16 =	sshra.s32 s8, $0xD;
	s8 =	sld [smem:$0x7C7]  }
0x1da: {  	v13 =	vsel vm0, s1, v54;
	s14 =	sshra.s32 s10, $0xD;
	v12 =	vsel vm13, s23, v12;
	s15 =	sshra.s32 s5, $0xD;
	s23 =	sshra.s32 s10, $0x1F  }
0x1db: {  	v13 =	vsel vm1, s0, v13;
	v14 =	vsel vm5, s14, v12;
	v55 =	vmov s15;
	s31 =	sshra.s32 s6, $0xD;
	s15 =	sld [smem:$0x7C9];
	s5 =	sshra.s32 s13, $0x1F  }
0x1dc: {  	v12 =	vsel vm2, s2, v13;
	s6 =	sshra.s32 s9, $0x1F;
	v14 =	vsel vm14, s23, v14;
	s9 =	sshra.s32 s8, $0xD;
	s23 =	sld [smem:$0x7CA];
	v15 =	vmov s5  }
0x1dd: {  	s14 =	sshrl.u32 s12, $0x1F;
	v13 =	vsel vm0, s11, v55;
	v14 =	vsel vm6, s4, v14;
	v16 =	vsel vm3, s9, v15;
	s9 =	sld [smem:$0x7CC]  }
0x1de: {  	s0 =	sshra.s32 s12, $0xD;
	s10 =	sshrl.u32 s8, $0x1F;
	s11 =	sshra.s32 s8, $0x1F;
	v13 =	vsel vm1, s16, v13;
	v14 =	vsel vm15, s6, v14  }
0x1df: {  	s16 =	sshrl.u32 s15, $0x1F;
	s6 =	sshra.s32 s23, $0x1F;
	v15 =	vsel vm2, s31, v13;
	v13 =	vsel vm7, s7, v14;
	s7 =	sld [smem:$0x7CB]  }
0x1e0: {  	v17 =	vmov s10;
	v57 =	vmov s16;
	s16 =	sld [smem:$0x7CF];
	s31 =	sshra.s32 s23, $0xD;
	v56 =	vsel vm9, s11, v16;
	s10 =	sshra.s32 s9, $0xD  }
0x1e1: {  	v14 =	vsel vm0, s31, v56;
	s11 =	sshrl.u32 s9, $0x1F;
	s12 =	sshra.s32 s9, $0x1F;
	s9 =	sld [smem:$0x7CE]  }
0x1e2: {  	v17 =	vnsel vm3, $0x0, v17;
	s5 =	sshrl.u32 s23, $0x1F;
	v16 =	vsel vm0, s14, v57;
	v14 =	vsel vm10, s6, v14;
	s8 =	sshrl.u32 s7, $0x1F;
	s6 =	sld [smem:$0x7D0]  }
0x1e3: {  	s1 =	sshra.s32 s15, $0xD;
	v18 =	vsel vm0, s5, v17;
	v16 =	vsel vm1, s8, v16;
	s8 =	sld [smem:$0x7CD]  }
0x1e4: {  	s23 =	sshrl.u32 s16, $0x1F;
	s31 =	sshra.s32 s16, $0xD;
	v14 =	vsel vm1, s10, v14;
	v58 =	vsel vm1, s11, v18;
	s11 =	sld [smem:$0x7D1]  }
0x1e5: {  	s4 =	sshra.s32 s7, $0xD;
	s7 =	sshra.s32 s16, $0x1F;
	v14 =	vsel vm11, s12, v14;
	s12 =	sld [smem:$0x7D3]  }
0x1e6: {  	s15 =	sshrl.u32 s9, $0x1F;
	v14 =	vsel vm2, s31, v14;
	s10 =	sshrl.u32 s6, $0x1F;
	s5 =	sshra.s32 s9, $0xD  }
0x1e7: {  	s14 =	sshrl.u32 s8, $0x1F;
	v59 =	vmov s15;
	v14 =	vsel vm12, s7, v14;
	s7 =	sld [smem:$0x7D2];
	s31 =	sshra.s32 s11, $0x1F  }
0x1e8: {  	v17 =	vsel vm2, s14, v16;
	v16 =	vsel vm2, s23, v58;
	s14 =	sshrl.u32 s11, $0x1F;
	v18 =	vsel vm0, s10, v59;
	s23 =	sshra.s32 s11, $0xD;
	s10 =	sld [smem:$0x7D4]  }
0x1e9: {  	s2 =	sshra.s32 s8, $0xD;
	s16 =	sshrl.u32 s12, $0x1F;
	v16 =	vsel vm4, s14, v16;
	v14 =	vsel vm4, s23, v14;
	s14 =	sld [smem:$0x7D5]  }
0x1ea: {  	s23 =	sshra.s32 s12, $0xD;
	s15 =	sshrl.u32 s7, $0x1F;
	v14 =	vsel vm13, s31, v14;
	s31 =	sshra.s32 s6, $0xD  }
0x1eb: {  	s6 =	sshra.s32 s12, $0x1F;
	s8 =	sshra.s32 s7, $0xD;
	s7 =	sld [smem:$0x7D9]  }
0x1ec: {  	v60 =	vmov s1;
	v18 =	vsel vm1, s15, v18;
	s11 =	sshrl.u32 s10, $0x1F;
	v14 =	vsel vm5, s23, v14;
	s9 =	sshra.s32 s10, $0xD;
	s15 =	sshrl.u32 s14, $0x1F  }
0x1ed: {  	v20 =	vmov s5;
	v16 =	vsel vm5, s16, v16;
	v14 =	vsel vm14, s6, v14;
	s10 =	sshra.s32 s14, $0xD;
	s12 =	sshra.s32 s14, $0x1F;
	s14 =	sld [smem:$0x7D6]  }
0x1ee: {  	s16 =	sshrl.u32 s13, $0x1F;
	v21 =	vsel vm0, s31, v20;
	v16 =	vsel vm6, s15, v16;
	v14 =	vsel vm6, s10, v14;
	s10 =	sld [smem:$0x7DA]  }
0x1ef: {  	s13 =	sshra.s32 s13, $0xD;
	v19 =	vsel vm2, s11, v18;
	v61 =	vsel vm1, s8, v21;
	s8 =	sshrl.u32 s7, $0x1F;
	v16 =	vsel vm7, s16, v16;
	s16 =	sld [smem:$0x7D7]  }
0x1f0: {  	v18 =	vsel vm0, s0, v60;
	v21 =	vsel vm2, s9, v61;
	s9 =	sshra.s32 s7, $0xD;
	v14 =	vsel vm15, s12, v14;
	s12 =	sshra.s32 s7, $0x1F;
	s7 =	sld [smem:$0x7DE]  }
0x1f1: {  	v18 =	vsel vm1, s4, v18;
	s15 =	sshrl.u32 s14, $0x1F;
	s0 =	sshra.s32 s14, $0xD;
	s14 =	sld [smem:$0x7D8]  }
0x1f2: {  	v20 =	vsel vm2, s2, v18;
	v18 =	vsel vm7, s13, v14;
	s13 =	sld [smem:$0x7DB];
	s11 =	sshrl.u32 s10, $0x1F  }
0x1f3: {  	s23 =	sshrl.u32 s16, $0x1F;
	s2 =	sshra.s32 s16, $0xD;
	s16 =	sld [smem:$0x7DC]  }
0x1f4: {  	s3 =	sshra.s32 s10, $0xD;
	s10 =	sld [smem:$0x7DD];
	s31 =	sshra.s32 s14, $0x1F  }
0x1f5: {  	v23 =	vmov s8;
	s8 =	sld [smem:$0x7DF];
	v22 =	vmov s23;
	v62 =	vmov s31  }
0x1f6: {  	v23 =	vnsel vm3, $0x0, v23;
	s1 =	sshra.s32 s13, $0xD;
	v22 =	vsel vm0, s15, v22;
	s15 =	sshrl.u32 s13, $0x1F;
	v14 =	vsel vm3, s9, v62;
	s23 =	sshrl.u32 s16, $0x1F  }
0x1f7: {  	s31 =	sshra.s32 s16, $0xD;
	v22 =	vsel vm1, s11, v22;
	s11 =	sshrl.u32 s10, $0x1F;
	v14 =	vsel vm9, s12, v14;
	v24 =	vsel vm0, s23, v23;
	s12 =	sshrl.u32 s7, $0x1F  }
0x1f8: {  	s13 =	sshrl.u32 s8, $0x1F;
	s9 =	sshra.s32 s16, $0x1F;
	v14 =	vsel vm0, s31, v14;
	v37 =	vsel vm1, s11, v24;
	v38 =	vmov s12;
	s12 =	sld [smem:$0x7E3]  }
0x1f9: {  	v63 =	vsel vm2, s15, v22;
	s15 =	sshra.s32 s10, $0xD;
	v14 =	vsel vm10, s9, v14;
	v22 =	vsel vm2, s13, v37;
	s13 =	sld [smem:$0x7E1]  }
0x1fa: {  	s16 =	sshra.s32 s10, $0x1F;
	s9 =	sld [smem:$0x7E0];
	v14 =	vsel vm1, s15, v14  }
0x1fb: {  	s10 =	sld [smem:$0x7E2];
	s15 =	sshra.s32 s8, $0xD;
	v14 =	vsel vm11, s16, v14;
	s16 =	sshra.s32 s8, $0x1F  }
0x1fc: {  	s8 =	sld [smem:$0x7E4];
	s31 =	sshrl.u32 s13, $0x1F;
	v14 =	vsel vm2, s15, v14;
	s15 =	sshra.s32 s7, $0xD  }
0x1fd: {  	s11 =	sshrl.u32 s12, $0x1F;
	s23 =	sshrl.u32 s9, $0x1F;
	v22 =	vsel vm4, s31, v22;
	v26 =	vmov s15;
	s15 =	sld [smem:$0x7E6]  }
0x1fe: {  	s6 =	sshrl.u32 s10, $0x1F;
	s4 =	sshra.s32 s9, $0xD;
	v24 =	vsel vm0, s23, v38;
	v22 =	vsel vm5, s11, v22;
	s11 =	sld [smem:$0x7E5]  }
0x1ff: {  	s9 =	sshra.s32 s13, $0xD;
	v14 =	vsel vm12, s16, v14;
	s16 =	sshra.s32 s10, $0xD;
	v24 =	vsel vm1, s6, v24;
	s23 =	sshrl.u32 s8, $0x1F  }
0x200: {  	v39 =	vmov s2;
	v14 =	vsel vm4, s9, v14;
	v25 =	vsel vm2, s23, v24;
	s23 =	sshra.s32 s13, $0x1F;
	s13 =	sld [smem:$0x7E7];
	s5 =	sshrl.u32 s15, $0x1F  }
0x201: {  	v24 =	vsel vm0, s0, v39;
	v14 =	vsel vm13, s23, v14;
	s0 =	sshra.s32 s15, $0xD;
	s23 =	sld [smem:$0x7E8];
	s31 =	sshrl.u32 s11, $0x1F  }
0x202: {  	v27 =	vsel vm0, s4, v26;
	s15 =	sld [smem:$0x7EB];
	v22 =	vsel vm6, s31, v22;
	s31 =	sshra.s32 s8, $0xD;
	s8 =	sshra.s32 s12, $0xD  }
0x203: {  	s9 =	sshra.s32 s12, $0x1F;
	v40 =	vsel vm1, s16, v27;
	s16 =	sshra.s32 s13, $0x1F;
	v14 =	vsel vm5, s8, v14;
	s8 =	sld [smem:$0x7E9]  }
0x204: {  	s7 =	sshra.s32 s14, $0xD;
	s10 =	sshra.s32 s11, $0xD;
	v41 =	vmov s16;
	s16 =	sld [smem:$0x7EC];
	v14 =	vsel vm14, s9, v14  }
0x205: {  	s12 =	sshra.s32 s11, $0x1F;
	v27 =	vsel vm2, s31, v40;
	s31 =	sshrl.u32 s23, $0x1F;
	s2 =	sshra.s32 s23, $0xD;
	v14 =	vsel vm6, s10, v14  }
0x206: {  	s9 =	sshra.s32 s8, $0xD;
	v14 =	vsel vm15, s12, v14;
	s10 =	sshrl.u32 s8, $0x1F;
	s12 =	sld [smem:$0x7EA]  }
0x207: {  	s11 =	sshra.s32 s8, $0x1F;
	s23 =	sshra.s32 s16, $0xD;
	v29 =	vmov s10;
	s10 =	sld [smem:$0x7ED]  }
0x208: {  	v24 =	vsel vm1, s3, v24;
	v42 =	vmov s31;
	s31 =	sshrl.u32 s16, $0x1F;
	v28 =	vsel vm3, s9, v41;
	s9 =	sshra.s32 s16, $0x1F;
	s16 =	sld [smem:$0x7EF]  }
0x209: {  	s6 =	sshrl.u32 s14, $0x1F;
	v26 =	vsel vm2, s1, v24;
	s1 =	sshra.s32 s15, $0xD;
	v28 =	vsel vm9, s11, v28;
	s11 =	sld [smem:$0x7EE]  }
0x20a: {  	v24 =	vsel vm7, s7, v14;
	s7 =	sshrl.u32 s15, $0x1F;
	v29 =	vnsel vm3, $0x0, v29;
	s14 =	sshrl.u32 s12, $0x1F;
	s3 =	sshra.s32 s12, $0xD  }
0x20b: {  	v14 =	vsel vm0, s5, v42;
	v28 =	vsel vm0, s23, v28;
	v30 =	vsel vm0, s31, v29;
	s31 =	sld [smem:$0x7F0];
	s5 =	sshrl.u32 s10, $0x1F;
	s23 =	sshrl.u32 s16, $0x1F  }
0x20c: {  	v28 =	vsel vm10, s9, v28;
	s8 =	sshra.s32 s10, $0xD;
	s12 =	sshra.s32 s11, $0xD;
	v44 =	vmov s23;
	s23 =	sld [smem:$0x7F2]  }
0x20d: {  	v14 =	vsel vm1, s14, v14;
	s4 =	sshra.s32 s16, $0xD;
	s14 =	sshrl.u32 s11, $0x1F;
	s15 =	sshra.s32 s11, $0x1F;
	v28 =	vsel vm1, s12, v28  }
0x20e: {  	(v2sf) =	vpush v8, $0x5;
	v43 =	vsel vm1, s14, v30;
	s11 =	sshrl.u32 s31, $0x1F;
	s12 =	sshra.s32 s31, $0xD;
	v28 =	vsel vm11, s15, v28;
	s15 =	sld [smem:$0x7F1]  }
0x20f: {  	v29 =	vsel vm2, s7, v14;
	s14 =	sshra.s32 s31, $0x1F;
	v14 =	vsel vm2, s11, v43;
	s11 =	sld [smem:$0x7F3];
	v28 =	vsel vm2, s12, v28;
	s31 =	sshrl.u32 s23, $0x1F  }
0x210: {  	s10 =	sshra.s32 s23, $0xD;
	v28 =	vsel vm12, s14, v28;
	s14 =	sshra.s32 s23, $0x1F;
	s23 =	sld [smem:$0x7F4]  }
0x211: {  	(v2sf) =	vpush v8, $0x6;
	v30 =	vsel vm0, s5, v44;
	s16 =	sshrl.u32 s15, $0x1F;
	s5 =	sshra.s32 s15, $0xD;
	s15 =	rddreg [dreg:$0x1d]  }
0x212: {  	v14 =	vsel vm4, s31, v14;
	s9 =	sshrl.u32 s11, $0x1F;
	v28 =	vsel vm4, s10, v28;
	s10 =	sshra.s32 s11, $0xD;
	v30 =	vsel vm1, s16, v30;
	s16 =	sshrl.u32 s15, $0x1F  }
0x213: {  	v22 =	vsel vm7, s6, v22;
	v14 =	vsel vm5, s9, v14;
	v45 =	vsel vm13, s14, v28;
	s6 =	sshra.s32 s15, $0xD;
	s9 =	sshrl.u32 s13, $0x1F;
	s14 =	sshra.s32 s11, $0x1F  }
0x214: {  	s31 =	sshrl.u32 s23, $0x1F;
	v33 =	vsel vm2, s16, v30;
	v30 =	vsel vm5, s10, v45;
	s15 =	sshra.s32 s23, $0xD;
	s10 =	sld [smem:$0x7F6]  }
0x215: {  	s16 =	sshra.s32 s23, $0x1F;
	s23 =	sshra.s32 s13, $0xD;
	s13 =	sld [smem:$0x7F8]  }
0x216: {  	v14 =	vsel vm6, s31, v14;
	v30 =	vsel vm14, s14, v30;
	s31 =	sld [smem:$0x7F5]  }
0x217: {  	v30 =	vsel vm6, s15, v30;
	s15 =	rddreg [dreg:$0x1e]  }
0x218: {  	v28 =	vsel vm7, s9, v14;
	s9 =	sld [smem:$0x7F9]  }
0x219: {  	v46 =	vmov s2;
	v31 =	vmov s4;
	v30 =	vsel vm15, s16, v30;
	s16 =	sld [smem:$0x7F7]  }
0x21a: {  	v31 =	vsel vm0, s8, v31;
	v14 =	vsel vm0, s0, v46;
	s7 =	sshrl.u32 s10, $0x1F;
	s8 =	sshra.s32 s10, $0xD;
	s11 =	sshrl.u32 s15, $0x1F  }
0x21b: {  	v14 =	vsel vm1, s3, v14;
	s0 =	sshrl.u32 s13, $0x1F;
	s2 =	sshrl.u32 s31, $0x1F;
	s14 =	sshra.s32 s31, $0xD  }
0x21c: {  	v47 =	vsel vm1, s5, v31;
	s3 =	sshra.s32 s31, $0x1F;
	v34 =	vsel vm2, s1, v14;
	s31 =	sshra.s32 s9, $0x1F;
	v49 =	vmov s2;
	s12 =	sshrl.u32 s16, $0x1F  }
0x21d: {  	s1 =	sshra.s32 s10, $0x1F;
	s10 =	spop (v2sf);
	v32 =	vmov s31;
	v35 =	vnsel vm3, $0x0, v49;
	v48 =	vmov s12;
	s12 =	rddreg [dreg:$0x1c]  }
0x21e: {  	v31 =	vsel vm7, s23, v30;
	s23 =	sshra.s32 s13, $0xD;
	s2 =	smulhi.u32 $0x51EB851F, s10;
	v32 =	vsel vm3, s14, v32;
	s14 =	rddreg [dreg:$0x1a];
	v50 =	vsel vm0, s7, v35  }
0x21f: {  	v36 =	vsel vm2, s6, v47;
	v14 =	vsel vm0, s11, v48;
	s6 =	sshrl.u32 s12, $0x1F;
	s11 =	sshra.s32 s10, $0x1F;
	v37 =	vsel vm1, s0, v50;
	s0 =	sld [smem:$0x7FA]  }
0x220: {  	s31 =	sshrl.u32 s14, $0x1F;
	v32 =	vsel vm9, s3, v32;
	s3 =	smul.u32 $0x51EB851F, s11;
	s11 =	rddreg [dreg:$0x1b]  }
0x221: {  	v14 =	vsel vm1, s6, v14;
	s6 =	spop (v2sf);
	v32 =	vsel vm0, s8, v32;
	s8 =	rddreg [dreg:$0x18];
	s4 =	sshrl.u32 s11, $0x1F  }
0x222: {  	s10 =	smulhi.u32 $0x51EB851F, s6;
	v32 =	vsel vm10, s1, v32;
	s6 =	sshra.s32 s6, $0x1F;
	v51 =	vmov s4;
	s4 =	sld [smem:$0x7FB]  }
0x223: {  	v30 =	vsel vm2, s31, v14;
	s31 =	sshrl.u32 s0, $0x1F;
	v32 =	vsel vm1, s23, v32;
	s23 =	smul.u32 $0x51EB851F, s6;
	s6 =	sld [smem:$0x7FC]  }
0x224: {  	s13 =	sshra.s32 s13, $0x1F;
	s7 =	sshrl.u32 s8, $0x1F;
	v37 =	vsel vm2, s31, v37;
	s31 =	rddreg [dreg:$0x19]  }
0x225: {  	v35 =	vsel vm0, s7, v51;
	v32 =	vsel vm11, s13, v32;
	s13 =	rddreg [dreg:$0x1f];
	s7 =	sshrl.u32 s4, $0x1F  }
0x226: {  	s15 =	sshra.s32 s15, $0xD;
	s5 =	sshrl.u32 s31, $0x1F;
	v37 =	vsel vm4, s7, v37;
	s7 =	rddreg [dreg:$0x17]  }
0x227: {  	s23 =	sadd.s32 s23, s10;
	v35 =	vsel vm1, s5, v35;
	s5 =	sshrl.u32 s6, $0x1F;
	s1 =	sshrl.u32 s7, $0x1F  }
0x228: {  	s10 =	sshrl.u32 s9, $0x1F;
	v37 =	vsel vm5, s5, v37;
	s5 =	sshra.s32 s0, $0xD;
	v35 =	vsel vm2, s1, v35;
	s1 =	sadd.s32 s3, s2  }
0x229: {  	s3 =	sshrl.u32 s13, $0x1F;
	v38 =	vsel vm2, s5, v32;
	s5 =	sshra.s32 s0, $0x1F;
	s0 =	sshra.s32 s16, $0xD  }
0x22a: {  	v14 =	vld [tilespmem:$0x70];
	s16 =	smov.u32 s6;
	s6 =	sshra.s32 s6, $0xD;
	v37 =	vsel vm6, s3, v37;
	v52 =	vsel vm12, s5, v38;
	s5 =	smov.u32 s4  }
0x22b: {  	s4 =	sshra.s32 s4, $0xD;
	s3 =	rddreg [dreg:$0x14];
	v32 =	vsel vm7, s10, v37;
	s10 =	sshra.s32 s12, $0xD  }
0x22c: {  	v53 =	vmov s0;
	v37 =	vsel vm4, s4, v52;
	s4 =	sshra.s32 s14, $0xD;
	s12 =	sshra.s32 s5, $0x1F;
	s14 =	sshra.s32 s8, $0xD  }
0x22d: {  	v38 =	vsel vm0, s15, v53;
	s15 =	sshra.s32 s11, $0xD;
	s8 =	sshra.s32 s7, $0xD;
	s11 =	sshra.s32 s13, $0xD  }
0x22e: {  	(v2sf) =	vpush v8, $0x7;
	s7 =	sshrl.u32 s3, $0x1F;
	v38 =	vsel vm1, s10, v38;
	s10 =	sshra.s32 s16, $0x1F;
	v39 =	vmov s15;
	s15 =	rddreg [dreg:$0x12]  }
0x22f: {  	(v2sf) =	vpush v14, $0xD;
	v37 =	vsel vm13, s12, v37;
	s12 =	sshra.s32 s13, $0x1F;
	s13 =	sshra.s32 s9, $0xD;
	v39 =	vsel vm0, s14, v39;
	s14 =	rddreg [dreg:$0x13]  }
0x230: {  	(v2sf) =	vpush v14, $0xC;
	v37 =	vsel vm5, s6, v37;
	s6 =	sshra.s32 s31, $0xD;
	s16 =	sshrl.u32 s15, $0x1F;
	s31 =	sld [smem:$0x7FD]  }
0x231: {  	(v2sf) =	vpush v14, $0xE;
	v37 =	vsel vm14, s10, v37;
	s9 =	sshrl.u32 s14, $0x1F;
	s2 =	sshra.s32 s14, $0xD;
	s14 =	rddreg [dreg:$0x15]  }
0x232: {  	(v2sf) =	vpush v14, $0xF;
	s5 =	sshra.s32 s15, $0xD;
	v39 =	vsel vm1, s6, v39;
	v37 =	vsel vm6, s11, v37;
	s11 =	rddreg [dreg:$0x10];
	s15 =	sshrl.u32 s14, $0x1F  }
0x233: {  	v40 =	vmov s16;
	v39 =	vsel vm2, s8, v39;
	s16 =	sshra.s32 s14, $0xD;
	v37 =	vsel vm15, s12, v37;
	s8 =	sshrl.u32 s11, $0x1F;
	s12 =	sshra.s32 s31, $0x1F  }
0x234: {  	v38 =	vsel vm2, s4, v38;
	s4 =	sshra.s32 s11, $0xD;
	v37 =	vsel vm7, s13, v37;
	v41 =	vmov s12;
	s13 =	rddreg [dreg:$0xf];
	s12 =	sshra.s32 s14, $0x1F  }
0x235: {  	(v2sf) =	vpush v14, $0x9;
	v42 =	vmov s15;
	s14 =	rddreg [dreg:$0x11];
	s10 =	sshrl.u32 s13, $0x1F;
	s6 =	sshra.s32 s13, $0xD  }
0x236: {  	(v2sf) =	vpush v14, $0x8;
	v42 =	vnsel vm3, $0x0, v42;
	v41 =	vsel vm3, s16, v41;
	s13 =	rddreg [dreg:$0xc];
	s15 =	sshrl.u32 s14, $0x1F;
	s16 =	sshra.s32 s14, $0xD  }
0x237: {  	(v2sf) =	vpush v14, $0xA;
	v40 =	vsel vm0, s9, v40;
	s0 =	sshra.s32 s14, $0x1F;
	s11 =	sshrl.u32 s13, $0x1F;
	v42 =	vsel vm0, s15, v42;
	s15 =	rddreg [dreg:$0xe]  }
0x238: {  	(v2sf) =	vpush v14, $0xB;
	v40 =	vsel vm1, s7, v40;
	s7 =	sshra.s32 s13, $0xD;
	s13 =	rddreg [dreg:$0x9];
	s14 =	sshrl.u32 s15, $0x1F  }
0x239: {  	s3 =	sshra.s32 s3, $0xD;
	v54 =	vmov s5;
	s5 =	sshra.s32 s30, $0xD;
	v41 =	vsel vm9, s12, v41;
	v42 =	vsel vm1, s14, v42;
	s14 =	rddreg [dreg:$0xd]  }
0x23a: {  	(v2sf) =	vpush v14, $0x0;
	v41 =	vsel vm0, s16, v41;
	s9 =	sshrl.u32 s13, $0x1F;
	s12 =	sshra.s32 s13, $0xD;
	v43 =	vmov s11;
	s16 =	sshrl.u32 s14, $0x1F  }
0x23b: {  	v45 =	vmov s7;
	v41 =	vsel vm10, s0, v41;
	s0 =	sshra.s32 s15, $0xD;
	v42 =	vsel vm2, s16, v42;
	s16 =	sshra.s32 s15, $0x1F;
	s15 =	rddreg [dreg:$0xb]  }
0x23c: {  	v43 =	vsel vm0, s10, v43;
	s10 =	sshrl.u32 s30, $0x1F;
	v45 =	vsel vm0, s6, v45;
	s6 =	sshra.s32 s31, $0xD;
	v41 =	vsel vm1, s0, v41;
	s13 =	sshrl.u32 s15, $0x1F  }
0x23d: {  	v40 =	vsel vm2, s8, v40;
	s0 =	sshra.s32 s14, $0xD;
	s8 =	sshra.s32 s14, $0x1F;
	v41 =	vsel vm11, s16, v41;
	v42 =	vsel vm4, s13, v42;
	s13 =	rddreg [dreg:$0xa]  }
0x23e: {  	s14 =	spop (v2sf);
	v41 =	vsel vm2, s0, v41;
	s0 =	rddreg [dreg:$0x8];
	s16 =	sshrl.u32 s13, $0x1F  }
0x23f: {  	v43 =	vsel vm1, s9, v43;
	s9 =	sshrl.u32 s31, $0x1F;
	v45 =	vsel vm1, s12, v45;
	s12 =	sshrl.u32 s24, $0x1F;
	v42 =	vsel vm5, s16, v42;
	s16 =	sshrl.u32 s0, $0x1F  }
0x240: {  	v10 =	vcombine.low v10, v9;
	s11 =	spop (v2sf);
	s31 =	sshra.s32 s14, $0x1F;
	v44 =	vsel vm12, s8, v41;
	v42 =	vsel vm6, s16, v42;
	s16 =	sshra.s32 s15, $0xD  }
0x241: {  	v43 =	vsel vm2, s10, v43;
	s10 =	spop (v2sf);
	s30 =	sshra.s32 s13, $0xD;
	v44 =	vsel vm4, s16, v44;
	s16 =	sshra.s32 s15, $0x1F  }
0x242: {  	v10 =	vperm.xlane v10, v0;
	s13 =	sshra.s32 s13, $0x1F;
	v41 =	vsel vm7, s9, v42;
	s9 =	spop (v2sf);
	s15 =	sshra.s32 s0, $0xD;
	v44 =	vsel vm13, s16, v44  }
0x243: {  	(v2sf) =	vpush v14, $0x1;
	v42 =	vsel vm0, s2, v54;
	s2 =	smulhi.u32 $0x51EB851F, s14;
	s14 =	sshrl.u32 s18, $0x1F;
	s8 =	spop (v2sf);
	v44 =	vsel vm5, s30, v44  }
0x244: {  	(v2sf) =	vpush v14, $0x2;
	s18 =	sshra.s32 s18, $0xD;
	v42 =	vsel vm1, s3, v42;
	s7 =	spop (v2sf);
	s30 =	sshrl.u32 s29, $0x1F;
	v44 =	vsel vm14, s13, v44  }
0x245: {  	s16 =	sshra.s32 s0, $0x1F;
	s0 =	sshrl.u32 s28, $0x1F;
	v42 =	vsel vm2, s4, v42;
	s3 =	spop (v2sf);
	v46 =	vmov s30;
	v44 =	vsel vm6, s15, v44  }
0x246: {  	v47 =	vmov s0;
	s0 =	sshrl.u32 s21, $0x1F;
	s4 =	spop (v2sf);
	v46 =	vnsel vm3, $0x0, v46;
	v44 =	vsel vm15, s16, v44;
	s16 =	sshrl.u32 s17, $0x1F  }
0x247: {  	v45 =	vsel vm2, s5, v45;
	s13 =	sshrl.u32 s25, $0x1F;
	s30 =	sshrl.u32 s19, $0x1F;
	s5 =	spop (v2sf);
	(v2sf) =	vpush v14, $0x3;
	v46 =	vsel vm0, s16, v46  }
0x248: {  	v11 =	vperm.xlane v11, v1;
	s25 =	sshra.s32 s25, $0xD;
	v47 =	vsel vm0, s13, v47;
	s13 =	sshrl.u32 s22, $0x1F;
	v46 =	vsel vm1, s30, v46;
	s30 =	rddreg [dreg:$0x16]  }
0x249: {  	v12 =	vcombine.low v15, v12;
	v44 =	vsel vm7, s6, v44;
	s6 =	smul.u32 $0x51EB851F, s31;
	s31 =	sshrl.u32 s26, $0x1F;
	v46 =	vsel vm2, s0, v46;
	s0 =	rddreg [dreg:$0x7]  }
0x24a: {  	v10 =	vsel vm8, v11, v10;
	v13 =	vperm.xlane v13, v1;
	s15 =	sshrl.u32 s1, $0x1F;
	v48 =	vmov s31;
	s16 =	sshrl.u32 s30, $0x1F;
	s31 =	sshrl.u32 s0, $0x1F  }
0x24b: {  	v12 =	vperm.xlane v12, v0;
	s2 =	sadd.s32 s6, s2;
	s6 =	spop (v2sf);
	v48 =	vsel vm0, s16, v48;
	s16 =	sshrl.u32 s20, $0x1F;
	v46 =	vsel vm4, s31, v46  }
0x24c: {  	v47 =	vsel vm1, s12, v47;
	s12 =	sshrl.u32 s2, $0x1F;
	v48 =	vsel vm1, s14, v48;
	s31 =	sshrl.u32 s23, $0x1F;
	v49 =	vsel vm5, s15, v46;
	s15 =	sshra.s32 s28, $0xD  }
0x24d: {  	v12 =	vsel vm8, v13, v12;
	v46 =	vsel vm2, s13, v47;
	v47 =	vsel vm2, s16, v48;
	s16 =	sshra.s32 s2, $0x1F;
	s28 =	sshra.s32 s24, $0xD;
	s24 =	sshra.s32 s17, $0xD  }
0x24e: {  	v10 =	vadd.s32 v10, v12;
	s13 =	smulhi.u32 $0x51EB851F, s10;
	v55 =	vsel vm6, s31, v49;
	v50 =	vmov s16;
	s31 =	sshra.s32 s29, $0xD;
	s16 =	sshra.s32 s26, $0xD  }
0x24f: {  	v61 =	vcombine.low v19, v17;
	v56 =	vmov s15;
	s26 =	sshra.s32 s17, $0x1F;
	s17 =	smulhi.u32 $0x51EB851F, s9;
	v9 =	vsel vm7, s12, v55;
	s12 =	sshra.s32 s22, $0xD  }
0x250: {  	v16 =	vperm.xlane v16, v1;
	v18 =	vperm.xlane v18, v1;
	v57 =	vsel vm0, s25, v56;
	s22 =	sshra.s32 s29, $0x1F;
	s25 =	smulhi.u32 $0x51EB851F, s11;
	s11 =	sshra.s32 s11, $0x1F  }
0x251: {  	v62 =	vcombine.low v21, v20;
	v58 =	vsel vm3, s31, v50;
	v60 =	vmov s16;
	s29 =	sshra.s32 s10, $0x1F;
	s31 =	sshra.s32 s30, $0xD;
	s11 =	smul.u32 $0x51EB851F, s11  }
0x252: {  	(v2sf) =	vpush v14, $0x4;
	s10 =	spop (v2sf);
	s30 =	sshra.s32 s7, $0x1F;
	v49 =	vsel vm9, s22, v58;
	s14 =	smul.u32 $0x51EB851F, s29;
	v50 =	vsel vm0, s31, v60  }
0x253: {  	v48 =	vsel vm1, s28, v57;
	s28 =	sshra.s32 s19, $0xD;
	v59 =	vsel vm0, s24, v49;
	s24 =	sshra.s32 s9, $0x1F;
	v53 =	vsel vm1, s18, v50;
	s18 =	smulhi.u32 $0x51EB851F, s7  }
0x254: {  	v13 =	vperm.xlane v62, v0;
	v63 =	vcombine.low v25, v63;
	(v2sf) =	vpush v14, $0x5;
	s22 =	sshra.s32 s19, $0x1F;
	s9 =	sadd.s32 s11, s25;
	s15 =	smul.u32 $0x51EB851F, s24  }
0x255: {  	v51 =	vcombine.low v27, v26;
	v15 =	vsel vm10, s26, v59;
	s11 =	smulhi.u32 $0x51EB851F, s8;
	s26 =	sshra.s32 s8, $0x1F;
	s8 =	spop (v2sf);
	(v2sf) =	vpush v14, $0x6  }
0x256: {  	v17 =	vperm.xlane v63, v0;
	v52 =	vcombine.low v33, v29;
	s29 =	sshra.s32 s21, $0x1F;
	s24 =	smulhi.u32 $0x51EB851F, s3;
	s7 =	spop (v2sf);
	(v2sf) =	vpush v14, $0x7  }
0x257: {  	v13 =	vsel vm8, v18, v13;
	v20 =	vperm.xlane v51, v0;
	v30 =	vcombine.low v35, v30;
	s31 =	sshra.s32 s0, $0xD;
	s25 =	sshra.s32 s21, $0xD;
	s21 =	smul.u32 $0x51EB851F, s26  }
0x258: {  	v21 =	vperm.xlane v52, v0;
	v54 =	vmul.u32 $0x6400, v10;
	s14 =	sadd.s32 s14, s13;
	v15 =	vsel vm1, s28, v15;
	s28 =	sshra.s32 s20, $0xD;
	s20 =	smul.u32 $0x51EB851F, s30  }
0x259: {  	v55 =	vperm.xlane v61, v0;
	v56 =	vcombine.low v36, v34;
	s26 =	sshrl.u32 s9, $0x1F;
	s9 =	sshra.s32 s9, $0xD;
	v15 =	vsel vm11, s22, v15;
	s22 =	sshrl.u32 s14, $0x1F  }
0x25a: {  	v3 =	vsub.s32 v3, v54;
	v61 =	vperm.xlane v31, v1;
	v31 =	vcombine.low v39, v38;
	s16 =	sadd.s32 s15, s17;
	s11 =	sadd.s32 s21, s11;
	s21 =	smulhi.u32 $0x51EB851F, s10  }
0x25b: {  	v34 =	vcombine.low v43, v40;
	s14 =	sshra.s32 s14, $0xD;
	v15 =	vsel vm2, s25, v15;
	s25 =	sshra.s32 s3, $0x1F;
	v57 =	vmov s22;
	s22 =	smulhi.u32 $0x51EB851F, s8  }
0x25c: {  	v36 =	vperm.xlane v32, v1;
	v11 =	vsel vm2, s12, v48;
	v12 =	vsel vm2, s28, v53;
	s17 =	sshrl.u32 s16, $0x1F;
	s12 =	sadd.s32 s20, s18;
	s28 =	smul.u32 $0x51EB851F, s25  }
0x25d: {  	v38 =	vperm.xlane v37, v1;
	v58 =	vperm.xlane v22, v1;
	s8 =	sshra.s32 s8, $0x1F;
	s16 =	sshra.s32 s16, $0xD;
	v15 =	vsel vm12, s29, v15;
	s29 =	smulhi.u32 $0x51EB851F, s4  }
0x25e: {  	v60 =	vperm.xlane v28, v1;
	v9 =	vperm.xlane v9, v1;
	s4 =	sshra.s32 s4, $0x1F;
	v62 =	vsel vm0, s26, v57;
	s26 =	sshrl.u32 s12, $0x1F;
	s8 =	smul.u32 $0x51EB851F, s8  }
0x25f: {  	v16 =	vsel vm8, v16, v55;
	v43 =	vperm.xlane v34, v0;
	v48 =	vperm.xlane v41, v1;
	s19 =	sshrl.u32 s11, $0x1F;
	s11 =	sshra.s32 s11, $0xD;
	s30 =	smul.u32 $0x51EB851F, s4  }
0x260: {  	v49 =	vcombine.low v45, v42;
	v59 =	vperm.xlane v24, v1;
	s12 =	sshra.s32 s12, $0xD;
	v10 =	vsel vm4, s31, v15;
	s31 =	smulhi.u32 $0x51EB851F, s5;
	s5 =	sshra.s32 s5, $0x1F  }
0x261: {  	v50 =	vcombine.low v47, v46;
	v13 =	vadd.s32 v16, v13;
	v17 =	vsel vm8, v58, v17;
	s3 =	spop (v2sf);
	s13 =	sadd.s32 s28, s24;
	s25 =	smul.u32 $0x51EB851F, s5  }
0x262: {  	v16 =	vsel vm8, v60, v21;
	v13 =	vmul.u32 $0x6400, v13;
	v18 =	vsel vm8, v59, v20;
	s28 =	smulhi.u32 $0x51EB851F, s6;
	s6 =	sshra.s32 s6, $0x1F;
	s8 =	sadd.s32 s8, s22  }
0x263: {  	v53 =	vperm.xlane v44, v1;
	v17 =	vadd.s32 v17, v18;
	v35 =	vmov s14;
	s24 =	sshrl.u32 s13, $0x1F;
	s20 =	smul.u32 $0x51EB851F, s6;
	s4 =	spop (v2sf)  }
0x264: {  	v18 =	vperm.xlane v31, v0;
	v2 =	vsub.s32 v2, v13;
	v22 =	vsel vm0, s9, v35;
	s15 =	sadd.s32 s30, s29;
	s29 =	sshra.s32 s10, $0x1F;
	s6 =	spop (v2sf)  }
0x265: {  	v11 =	vcombine.low v12, v11;
	v22 =	vsel vm1, s16, v22;
	v63 =	vmov s24;
	s10 =	sadd.s32 s25, s31;
	s31 =	smul.u32 $0x51EB851F, s29;
	s25 =	spop (v2sf)  }
0x266: {  	v17 =	vmul.u32 $0x6400, v17;
	v51 =	vsel vm2, s11, v22;
	s11 =	sshra.s32 s1, $0xD;
	v29 =	vsel vm0, s26, v63;
	s26 =	smulhi.u32 $0x51EB851F, s25;
	s9 =	sshra.s32 s25, $0x1F  }
0x267: {  	v15 =	vperm.xlane v56, v0;
	v28 =	vsel vm1, s17, v62;
	v40 =	vsel vm8, v38, v18;
	s1 =	sshra.s32 s1, $0x1F;
	s13 =	sshra.s32 s13, $0xD;
	s29 =	smul.u32 $0x51EB851F, s9  }
0x268: {  	v18 =	vperm.xlane v50, v0;
	v11 =	vperm.xlane v11, v0;
	v19 =	vsel vm2, s19, v28;
	s22 =	sshrl.u32 s8, $0x1F;
	s30 =	sshrl.u32 s15, $0x1F;
	s24 =	smulhi.u32 $0x51EB851F, s7  }
0x269: {  	v4 =	vsub.s32 v4, v17;
	v17 =	vperm.xlane v49, v0;
	v15 =	vsel vm8, v61, v15;
	s7 =	sshra.s32 s7, $0x1F;
	s28 =	sadd.s32 s20, s28;
	s5 =	sadd.s32 s29, s26  }
0x26a: {  	v9 =	vsel vm8, v9, v18;
	v15 =	vadd.s32 v16, v15;
	v33 =	vsel vm1, s30, v29;
	s30 =	sadd.s32 s31, s21;
	s31 =	sshra.s32 s0, $0x1F;
	s0 =	sshra.s32 s5, $0x1F  }
0x26b: {  	v16 =	vperm.xlane v30, v0;
	v52 =	vmov s13;
	s15 =	sshra.s32 s15, $0xD;
	s7 =	smul.u32 $0x51EB851F, s7;
	s16 =	sshra.s32 s28, $0xD;
	v54 =	vmov s0  }
0x26c: {  	v55 =	vsel vm8, v53, v17;
	s18 =	sshrl.u32 s10, $0x1F;
	v22 =	vsel vm0, s12, v52;
	s12 =	sshra.s32 s23, $0xD;
	s17 =	sshra.s32 s28, $0x1F;
	v24 =	vsel vm3, s16, v54  }
0x26d: {  	v15 =	vmul.u32 $0x6400, v15;
	s10 =	sshra.s32 s10, $0xD;
	v39 =	vsel vm8, v36, v16;
	s7 =	sadd.s32 s7, s24;
	s21 =	sshra.s32 s30, $0xD;
	v24 =	vsel vm9, s17, v24  }
0x26e: {  	v22 =	vsel vm1, s15, v22;
	v20 =	vsel vm2, s18, v33;
	s24 =	smulhi.u32 $0x51EB851F, s3;
	s3 =	sshra.s32 s3, $0x1F;
	s9 =	sshra.s32 s30, $0x1F;
	v56 =	vsel vm0, s21, v24  }
0x26f: {  	s19 =	sshrl.u32 s28, $0x1F;
	v6 =	vsub.s32 v6, v15;
	v13 =	vadd.s32 v39, v40;
	s3 =	smul.u32 $0x51EB851F, s3;
	s25 =	sshra.s32 s8, $0xD;
	v17 =	vsel vm10, s9, v56  }
0x270: {  	s20 =	sshrl.u32 s30, $0x1F;
	v15 =	vsel vm8, v48, v43;
	v57 =	vsel vm2, s10, v22;
	s28 =	smulhi.u32 $0x51EB851F, s4;
	s8 =	sshra.s32 s8, $0x1F;
	v17 =	vsel vm1, s25, v17  }
0x271: {  	v59 =	vmov s19;
	v10 =	vsel vm13, s31, v10;
	s4 =	sshra.s32 s4, $0x1F;
	s3 =	sadd.s32 s3, s24;
	s29 =	sshra.s32 s7, $0xD;
	v17 =	vsel vm11, s8, v17  }
0x272: {  	v58 =	vcombine.low v20, v19;
	v18 =	vcombine.low v57, v51;
	s4 =	smul.u32 $0x51EB851F, s4;
	s26 =	sshrl.u32 s7, $0x1F;
	s7 =	sshra.s32 s7, $0x1F;
	v17 =	vsel vm2, s29, v17  }
0x273: {  	v19 =	vnsel vm3, $0x0, v59;
	v10 =	vsel vm5, s11, v10;
	s31 =	sshra.s32 s3, $0xD;
	s30 =	smulhi.u32 $0x51EB851F, s6;
	s6 =	sshra.s32 s6, $0x1F;
	v17 =	vsel vm12, s7, v17  }
0x274: {  	v19 =	vsel vm0, s20, v19;
	v10 =	vsel vm14, s1, v10;
	s4 =	sadd.s32 s4, s28;
	s6 =	smul.u32 $0x51EB851F, s6;
	s0 =	sshra.s32 s3, $0x1F;
	v17 =	vsel vm4, s31, v17  }
0x275: {  	v19 =	vsel vm1, s22, v19;
	v10 =	vsel vm6, s12, v10;
	s13 =	sshra.s32 s4, $0xD;
	v17 =	vsel vm13, s0, v17  }
0x276: {  	v12 =	vperm.xlane v58, v0;
	s11 =	sshrl.u32 s3, $0x1F;
	s15 =	sshra.s32 s4, $0x1F;
	v19 =	vsel vm2, s26, v19;
	s6 =	sadd.s32 s6, s30;
	v17 =	vsel vm5, s13, v17  }
0x277: {  	s10 =	sshra.s32 s23, $0x1F;
	v60 =	vperm.xlane v18, v0;
	s14 =	sshrl.u32 s4, $0x1F;
	v19 =	vsel vm4, s11, v19;
	s18 =	sshra.s32 s6, $0xD;
	v17 =	vsel vm14, s15, v17  }
0x278: {  	v10 =	vsel vm15, s10, v10;
	s20 =	sshra.s32 s6, $0x1F;
	s16 =	sshra.s32 s2, $0xD;
	v19 =	vsel vm5, s14, v19;
	s17 =	sshrl.u32 s6, $0x1F;
	v17 =	vsel vm6, s18, v17  }
0x279: {  	s19 =	sshrl.u32 s5, $0x1F;
	v10 =	vsel vm7, s16, v10;
	v19 =	vsel vm6, s17, v19;
	s21 =	sshra.s32 s5, $0xD;
	v17 =	vsel vm15, s20, v17  }
0x27a: {  	v10 =	vperm.xlane v10, v1;
	v19 =	vsel vm7, s19, v19;
	v17 =	vsel vm7, s21, v17  }
0x27b: {  	[tilespmem:$0x90] =	vst v2;
	v2 =	vadd.s32 v15, v55;
	v19 =	vperm.xlane v19, v1;
	v61 =	vperm.xlane v17, v1  }
0x27c: {  	[tilespmem:$0x80] =	vst v3;
	v62 =	vmul.u32 $0x6400, v13;
	v2 =	vmul.u32 $0x6400, v2;
	v3 =	vsel vm8, v10, v11  }
0x27d: {  	[tilespmem:$0xA0] =	vst v4;
	v3 =	vadd.s32 v9, v3;
	v63 =	vsel vm8, v19, v12;
	v10 =	vsel vm8, v61, v60  }
0x27e: {  	[tilespmem:$0xB0] =	vst v6;
	v5 =	vsub.s32 v5, v62;
	v3 =	vmul.u32 $0x6400, v3;
	v4 =	vadd.s32 v63, v10  }
0x27f: {  	[tilespmem:$0xC0] =	vst v5;
	v2 =	vsub.s32 v7, v2;
	v4 =	vmul.u32 $0x6400, v4  }
0x280: {  	[tilespmem:$0xD0] =	vst v2;
	v2 =	vsub.s32 v8, v3  }
0x281: {  	s23 =	simm.s32 $0x80;
	[tilespmem:$0xE0] =	vst v2;
	v2 =	vsub.s32 v14, v4  }
0x282: {  	s22 =	rddreg [dreg:$0x4];
	s24 =	simm.s32 $0x100;
	s25 =	simm.s32 $0x1;
	[tilespmem:$0xF0] =	vst v2  }
0x283: {  	[tilespmem:s24], [sflag:$0x1] =	stream.indirect.gather [hbm4b:s22+s23], $0x80, s23, s23, $0xb8;
	[tilespmem:$0x4100] =	vst v63  }
0x284: {  	_ =	swait.ge [sflag:s25], $0x4000  }
0x285: {  	s28 =	simm.s32 $0x0;
	s29 =	rddreg [dreg:$0x6]  }
0x286: {  	s30 =	simm.s32 $0x2;
	[sflag:s25] =	ssyncset.done $0x0;
	p0 =	sne.s32 s29, $0x1  }
.Ltmp0:
0x287: {  	s26 =	rddreg [dreg:$0x5];
	[sflag:s25] =	ssyncadd.s32 $0xFFFFC000;
	(pc) =	sbr.rel @p0 .LBB2_1-.Ltmp0, $4  }
0x288: {  	[hbm4b:s26+s28] =	stream.linear.scatter [tilespmem:s24], [sflag:$0x2], $0x4000, $0x38;
	[tilespmem:$0x4100] =	vst v63  }
0x289: {  	_ =	swait.ge [sflag:s30], $0x4000  }
0x28a: {  	s31 =	simm.s32 $0x2;
	[sflag:s30] =	ssyncset.done $0x0  }
0x28b: {  	s0 =	sadd.s32 $0xFFFFFFFF, s29;
	[sflag:s31] =	ssyncadd.s32 $0xFFFFC000  }
0x28c: {  	_ =	sfence.sel $0x180000  }
0x28d: {  	[bflag:$0x0] =	sbarrier.arrive $0xFFFF  }
0x28e: {  	_ =	strace $0x90000047  }
0x28f: {  	s0 =	stileid.u32;
	[bflag:$0x2] =	sbarrier.arrive $0xFFFF  }
0x290: {  	p0 =	sne.s32 s0, $0x0;
	s0 =	rddreg [dreg:$0x2]  }
0x291: {  	s0 =	sadd.s32 @!p0 $0x100000, s0  }
0x292: {  	[sflag:s0] =	ssyncadd.tile.s32 @!p0 $0x1;
	_ =	shalt  }
.Lfunc_end2:
_tile_overlayer_lowered:
.L_overlay_start_2:
0x293: {  	(tag) =	ssettag $0x2  }
0x294: {  	s0 =	rddreg [dreg:$0x0];
	s2 =	stileid.u32  }
0x295: {  	s1 =	rddreg [dreg:$0x1];
	p0 =	sne.s32 s2, $0x0  }
0x296: {  	s3 =	rddreg [dreg:$0x2];
	[bflag:$0x3] =	sbarrier.arrive $0xFFFF;
	s2 =	simm.s32 @!p0 $0x1C02  }
0x297: {  	[timem:s3], [sflag:s2] =	dma.local @!p0 [hbm:s0], s1  }
0x298: {  	s0 =	simm.s32 @!p0 $0x2  }
0x299: {  	_ =	swait.ge @!p0 [sflag:s0], s1  }
0x29a: {  	s1 =	ssub.s32 @!p0 $0x0, s1;
	[sflag:s0] =	ssyncset.done @!p0 $0x0  }
0x29b: {  	[sflag:s0] =	ssyncadd.s32 @!p0 s1  }
0x29c: {  	[bflag:$0x3] =	sbarrier.arrive $0xFFFF  }
0x29d: {  	_ =	shalt  }

</sc_bundles>
